<compile_context>
chip_gen: v7x
topology: tpu7x:2x2x1
jax: 0.10.2.dev20260603
libtpu: 0.0.44.dev20260713+nightly
codegen_flags: <defaults>
</compile_context>

<pallas_src>
import functools
import math

import jax
import jax.numpy as jnp
from jax import lax
from jax.experimental import pallas as pl
from jax.experimental.pallas import tpu as pltpu
from jax.experimental.pallas import tpu_sc as plsc

_SCALE = 0.125
_NUM_BUCKETS = 32
_MAX_DISTANCE = 128
_NSHIFT = 16


def _build_lut_body(tabT_ref, out_ref, *, seq, lut_len, cpad):
    nb2 = _NUM_BUCKETS // 2
    max_exact = nb2 // 2
    c = lax.broadcasted_iota(jnp.int32, (_NUM_BUCKETS, cpad), 1)
    b = lax.broadcasted_iota(jnp.int32, (_NUM_BUCKETS, cpad), 0)
    n = (seq - 1) - c
    base = jnp.where(n < 0, nb2, 0).astype(jnp.int32)
    a = jnp.abs(n)
    af = jnp.maximum(a, 1).astype(jnp.float32)
    vlarge = max_exact + (
        jnp.log(af / max_exact) / math.log(_MAX_DISTANCE / max_exact) * (nb2 - max_exact)
    ).astype(jnp.int32)
    vlarge = jnp.minimum(vlarge, nb2 - 1)
    bucket = base + jnp.where(a < max_exact, a, vlarge)
    onehot = (bucket == b).astype(jnp.float32)
    vals = lax.dot_general(
        tabT_ref[...], onehot, (((1,), (0,)), ((), ())),
        preferred_element_type=jnp.float32,
    ) * _SCALE
    for s in range(_NSHIFT):
        out_ref[s] = vals[:, s:s + lut_len]


def _build_lut(tableT, seq):
    heads = tableT.shape[0]
    lut_len = 2 * seq
    cpad = ((lut_len + _NSHIFT + 127) // 128) * 128
    body = functools.partial(_build_lut_body, seq=seq, lut_len=lut_len, cpad=cpad)
    return pl.pallas_call(
        body,
        out_shape=jax.ShapeDtypeStruct((_NSHIFT, heads, lut_len), jnp.float32),
    )(tableT)


def _make_fanout(heads, seq):
    lut_len = 2 * seq
    mesh = plsc.VectorSubcoreMesh(core_axis_name="c", subcore_axis_name="s")
    rows_per_tec = seq // 2
    nblk = rows_per_tec // 8
    nbuf = 2

    @functools.partial(
        pl.kernel,
        mesh=mesh,
        out_type=jax.ShapeDtypeStruct((1, heads, 1, seq, seq), jnp.float32),
        scratch_types=[
            pltpu.VMEM((_NSHIFT * lut_len,), jnp.float32),
            pltpu.VMEM((nbuf, 8, seq), jnp.float32),
            pltpu.SemaphoreType.DMA,
        ],
    )
    def fanout(lut_hbm, out_hbm, lut_tile, blk, sem):
        h = lax.axis_index("s")
        half = lax.axis_index("c")
        for s in range(_NSHIFT):
            pltpu.sync_copy(
                lut_hbm.at[pl.ds(pl.multiple_of((s * heads + h) * lut_len, lut_len), lut_len)],
                lut_tile.at[pl.ds(s * lut_len, lut_len)],
            )
        i0 = half * rows_per_tec

        def blk_copy(m, b):
            i_start = pl.multiple_of(i0 + 8 * m, 8)
            return pltpu.make_async_copy(
                blk.at[b],
                out_hbm.at[0, h, 0, pl.ds(i_start, 8), :],
                sem,
            )

        def build(m, b):
            cs0 = (seq - 1) - (i0 + 8 * m)
            e = lax.rem(cs0 - 7, _NSHIFT)
            t0 = cs0 - 7 - e
            base = pl.multiple_of((7 + e) * lut_len + t0, _NSHIFT)
            dst = blk.at[b]

            @plsc.parallel_loop(0, seq // 16, unroll=8)
            def _col(u):
                c = u * 16
                for r in range(8):
                    vec = lut_tile[pl.ds(base + c - r * lut_len, 16)]
                    dst[r, pl.ds(c, 16)] = vec

        def body(m, carry):
            b = lax.rem(m, nbuf)

            @pl.when(m >= nbuf)
            def _():
                blk_copy(m - nbuf, b).wait()

            build(m, b)
            blk_copy(m, b).start()
            return carry

        lax.fori_loop(0, nblk, body, 0)

        def drain(m, carry):
            blk_copy(m, lax.rem(m, nbuf)).wait()
            return carry

        lax.fori_loop(nblk - nbuf, nblk, drain, 0)

    return fanout


def kernel(x, table):
    seq = x.shape[-2]
    heads = table.shape[1]
    tableT = jnp.transpose(table)
    lut = _build_lut(tableT, seq)
    return _make_fanout(heads, seq)(jnp.reshape(lut, (-1,)))

# --- scband reference (transcript-rebuilt; emitter-appended) ---
"""Pipeline reference for scband-t5-relative-position-bias-21912923144481 (READ-ONLY COPY).

The authoritative reference and input builder live on the scoring server;
editing this copy changes nothing except your own understanding.
"""

import math
import jax, jax.numpy as jnp
import numpy as np

SCALE = 0.125
NUM_HEADS = 16
CAUSAL = False
NUM_BUCKETS = 32
MAX_DISTANCE = 128


def _relative_position_bucket(relative_position, causal=False, num_buckets=32, max_distance=128):
    ret = jnp.zeros_like(relative_position)
    n = -relative_position
    if not causal:
        num_buckets //= 2
        ret = ret + (n < 0).astype(relative_position.dtype) * num_buckets
        n = jnp.abs(n)
    else:
        n = jnp.maximum(n, jnp.zeros_like(n))
    max_exact = num_buckets // 2
    is_small = n < max_exact
    # clamp to avoid log(0); those entries are masked out by is_small anyway (n=0 < max_exact)
    n_safe = jnp.maximum(n, 1).astype(jnp.float32)
    val_if_large = max_exact + (
        jnp.log(n_safe / max_exact) / math.log(max_distance / max_exact) * (num_buckets - max_exact)
    ).astype(relative_position.dtype)
    val_if_large = jnp.minimum(val_if_large, jnp.full_like(val_if_large, num_buckets - 1))
    ret = ret + jnp.where(is_small, n, val_if_large)
    return ret


def setup_inputs(seed: int = 0) -> dict:
    key = jax.random.key(seed)
    k1, k2 = jax.random.split(key)
    x = jax.random.normal(k1, (1, 16, 2048, 2048), dtype=jnp.float32)
    # learned relative attention bias embedding table [num_buckets, num_heads]
    table = jax.random.normal(k2, (NUM_BUCKETS, NUM_HEADS), dtype=jnp.float32) * 0.02
    return {"x": x, "table": table}


def reference(x, table):
    i, j = x.shape[-2], x.shape[-1]
    q_pos = jnp.arange(i, dtype=jnp.int32)
    k_pos = jnp.arange(j, dtype=jnp.int32)
    rel_pos = k_pos[None, :] - q_pos[:, None]  # [i, j]
    rp_bucket = _relative_position_bucket(
        rel_pos, causal=CAUSAL, num_buckets=NUM_BUCKETS, max_distance=MAX_DISTANCE
    )
    # embedding lookup: [i, j] int buckets -> [i, j, num_heads]
    bias = jnp.take(table, rp_bucket, axis=0)
    # permute([2,0,1]).unsqueeze(0).unsqueeze(2) -> [1, H, 1, i, j]
    bias = jnp.transpose(bias, (2, 0, 1))[None, :, None, :, :]
    return bias * SCALE

if __name__ == "__main__":
    import jax
    _d = setup_inputs()
    print(jax.jit(kernel)(*tuple(_d.values())))

</pallas_src>

<mosaic_0001>
#map = affine_map<(d0, d1) -> (0)>
#map1 = affine_map<(d0, d1) -> (0, 0, 0, 0, 0)>
module attributes {stable_mosaic.version = 14 : i64} {
  func.func @fanout(%arg0: i32, %arg1: i32, %arg2: memref<1048576xf32, #tpu.memory_space<hbm>>, %arg3: memref<1x16x1x2048x2048xf32, #tpu.memory_space<hbm>>, %arg4: memref<65536xf32, #tpu.memory_space<vmem>>, %arg5: memref<2x8x2048xf32, #tpu.memory_space<vmem>>, %arg6: memref<!tpu.dma_semaphore, #tpu.memory_space<semaphore_mem>>) attributes {dimension_semantics = [#tpu.dimension_semantics<core_parallel>, #tpu.dimension_semantics<subcore_parallel>], iteration_bounds = array<i64: 2, 16>, scalar_prefetch = 0 : i64, scratch_operands = 3 : i64, tpu.core_type = #tpu.core_type<sc_vector_subcore>, window_params = [{transform_indices = #map}, {transform_indices = #map1}]} {
    %add3A = arith.constant 0 : i32
    %add3A_0 = arith.addi %add3A, %arg1 : i32
    %mul3A = arith.constant 4096 : i32
    %mul3A_1 = arith.muli %add3A_0, %mul3A : i32
    %multiple_of3A = tpu.assume_multiple %mul3A_1, 4096 : i32
    "tpu.region"() ({
      %run_scoped3A = tpu.sem_alloc : memref<!tpu.dma_semaphore, #tpu.memory_space<semaphore_mem>>
      %dma_start3A = arith.constant 0 : i32
      %dma_start3A_90 = tpu.memref_slice %arg4[%dma_start3A] : memref<65536xf32, #tpu.memory_space<vmem>> -> memref<4096xf32, #tpu.memory_space<vmem>>
      %dma_start3A_91 = tpu.memref_slice %arg2[%multiple_of3A] : memref<1048576xf32, #tpu.memory_space<hbm>> -> memref<4096xf32, #tpu.memory_space<hbm>>
      %dma_start3A_92 = arith.constant 0 : i32
      %dma_start3A_93 = tpu.memref_slice %arg4[%dma_start3A_92] : memref<65536xf32, #tpu.memory_space<vmem>> -> memref<4096xf32, #tpu.memory_space<vmem>>
      %dma_start3A_94 = tpu.memref_slice %arg2[%multiple_of3A] : memref<1048576xf32, #tpu.memory_space<hbm>> -> memref<4096xf32, #tpu.memory_space<hbm>>
      tpu.enqueue_dma source(%dma_start3A_94 : memref<4096xf32, #tpu.memory_space<hbm>>) target(%dma_start3A_93 : memref<4096xf32, #tpu.memory_space<vmem>>) target_semaphore(%run_scoped3A : memref<!tpu.dma_semaphore, #tpu.memory_space<semaphore_mem>>)
      %dma_wait3A = arith.constant 0 : i32
      %dma_wait3A_95 = tpu.memref_slice %arg4[%dma_wait3A] : memref<65536xf32, #tpu.memory_space<vmem>> -> memref<4096xf32, #tpu.memory_space<vmem>>
      %dma_wait3A_96 = tpu.memref_slice %arg2[%multiple_of3A] : memref<1048576xf32, #tpu.memory_space<hbm>> -> memref<4096xf32, #tpu.memory_space<hbm>>
      %dma_wait3A_97 = arith.constant 0 : i32
      %dma_wait3A_98 = tpu.memref_slice %arg4[%dma_wait3A_97] : memref<65536xf32, #tpu.memory_space<vmem>> -> memref<4096xf32, #tpu.memory_space<vmem>>
      %dma_wait3A_99 = tpu.memref_slice %arg2[%multiple_of3A] : memref<1048576xf32, #tpu.memory_space<hbm>> -> memref<4096xf32, #tpu.memory_space<hbm>>
      tpu.wait_dma2 semaphore(%run_scoped3A : memref<!tpu.dma_semaphore, #tpu.memory_space<semaphore_mem>>) src(%dma_wait3A_99 : memref<4096xf32, #tpu.memory_space<hbm>>) dst(%dma_wait3A_98 : memref<4096xf32, #tpu.memory_space<vmem>>)
      tpu.yield
    }) : () -> ()
    %add3A_2 = arith.constant 16 : i32
    %add3A_3 = arith.addi %add3A_2, %arg1 : i32
    %mul3A_4 = arith.constant 4096 : i32
    %mul3A_5 = arith.muli %add3A_3, %mul3A_4 : i32
    %multiple_of3A_6 = tpu.assume_multiple %mul3A_5, 4096 : i32
    "tpu.region"() ({
      %run_scoped3A = tpu.sem_alloc : memref<!tpu.dma_semaphore, #tpu.memory_space<semaphore_mem>>
      %dma_start3A = arith.constant 4096 : i32
      %dma_start3A_90 = tpu.memref_slice %arg4[%dma_start3A] : memref<65536xf32, #tpu.memory_space<vmem>> -> memref<4096xf32, #tpu.memory_space<vmem>>
      %dma_start3A_91 = tpu.memref_slice %arg2[%multiple_of3A_6] : memref<1048576xf32, #tpu.memory_space<hbm>> -> memref<4096xf32, #tpu.memory_space<hbm>>
      %dma_start3A_92 = arith.constant 4096 : i32
      %dma_start3A_93 = tpu.memref_slice %arg4[%dma_start3A_92] : memref<65536xf32, #tpu.memory_space<vmem>> -> memref<4096xf32, #tpu.memory_space<vmem>>
      %dma_start3A_94 = tpu.memref_slice %arg2[%multiple_of3A_6] : memref<1048576xf32, #tpu.memory_space<hbm>> -> memref<4096xf32, #tpu.memory_space<hbm>>
      tpu.enqueue_dma source(%dma_start3A_94 : memref<4096xf32, #tpu.memory_space<hbm>>) target(%dma_start3A_93 : memref<4096xf32, #tpu.memory_space<vmem>>) target_semaphore(%run_scoped3A : memref<!tpu.dma_semaphore, #tpu.memory_space<semaphore_mem>>)
      %dma_wait3A = arith.constant 4096 : i32
      %dma_wait3A_95 = tpu.memref_slice %arg4[%dma_wait3A] : memref<65536xf32, #tpu.memory_space<vmem>> -> memref<4096xf32, #tpu.memory_space<vmem>>
      %dma_wait3A_96 = tpu.memref_slice %arg2[%multiple_of3A_6] : memref<1048576xf32, #tpu.memory_space<hbm>> -> memref<4096xf32, #tpu.memory_space<hbm>>
      %dma_wait3A_97 = arith.constant 4096 : i32
      %dma_wait3A_98 = tpu.memref_slice %arg4[%dma_wait3A_97] : memref<65536xf32, #tpu.memory_space<vmem>> -> memref<4096xf32, #tpu.memory_space<vmem>>
      %dma_wait3A_99 = tpu.memref_slice %arg2[%multiple_of3A_6] : memref<1048576xf32, #tpu.memory_space<hbm>> -> memref<4096xf32, #tpu.memory_space<hbm>>
      tpu.wait_dma2 semaphore(%run_scoped3A : memref<!tpu.dma_semaphore, #tpu.memory_space<semaphore_mem>>) src(%dma_wait3A_99 : memref<4096xf32, #tpu.memory_space<hbm>>) dst(%dma_wait3A_98 : memref<4096xf32, #tpu.memory_space<vmem>>)
      tpu.yield
    }) : () -> ()
    %add3A_7 = arith.constant 32 : i32
    %add3A_8 = arith.addi %add3A_7, %arg1 : i32
    %mul3A_9 = arith.constant 4096 : i32
    %mul3A_10 = arith.muli %add3A_8, %mul3A_9 : i32
    %multiple_of3A_11 = tpu.assume_multiple %mul3A_10, 4096 : i32
    "tpu.region"() ({
      %run_scoped3A = tpu.sem_alloc : memref<!tpu.dma_semaphore, #tpu.memory_space<semaphore_mem>>
      %dma_start3A = arith.constant 8192 : i32
      %dma_start3A_90 = tpu.memref_slice %arg4[%dma_start3A] : memref<65536xf32, #tpu.memory_space<vmem>> -> memref<4096xf32, #tpu.memory_space<vmem>>
      %dma_start3A_91 = tpu.memref_slice %arg2[%multiple_of3A_11] : memref<1048576xf32, #tpu.memory_space<hbm>> -> memref<4096xf32, #tpu.memory_space<hbm>>
      %dma_start3A_92 = arith.constant 8192 : i32
      %dma_start3A_93 = tpu.memref_slice %arg4[%dma_start3A_92] : memref<65536xf32, #tpu.memory_space<vmem>> -> memref<4096xf32, #tpu.memory_space<vmem>>
      %dma_start3A_94 = tpu.memref_slice %arg2[%multiple_of3A_11] : memref<1048576xf32, #tpu.memory_space<hbm>> -> memref<4096xf32, #tpu.memory_space<hbm>>
      tpu.enqueue_dma source(%dma_start3A_94 : memref<4096xf32, #tpu.memory_space<hbm>>) target(%dma_start3A_93 : memref<4096xf32, #tpu.memory_space<vmem>>) target_semaphore(%run_scoped3A : memref<!tpu.dma_semaphore, #tpu.memory_space<semaphore_mem>>)
      %dma_wait3A = arith.constant 8192 : i32
      %dma_wait3A_95 = tpu.memref_slice %arg4[%dma_wait3A] : memref<65536xf32, #tpu.memory_space<vmem>> -> memref<4096xf32, #tpu.memory_space<vmem>>
      %dma_wait3A_96 = tpu.memref_slice %arg2[%multiple_of3A_11] : memref<1048576xf32, #tpu.memory_space<hbm>> -> memref<4096xf32, #tpu.memory_space<hbm>>
      %dma_wait3A_97 = arith.constant 8192 : i32
      %dma_wait3A_98 = tpu.memref_slice %arg4[%dma_wait3A_97] : memref<65536xf32, #tpu.memory_space<vmem>> -> memref<4096xf32, #tpu.memory_space<vmem>>
      %dma_wait3A_99 = tpu.memref_slice %arg2[%multiple_of3A_11] : memref<1048576xf32, #tpu.memory_space<hbm>> -> memref<4096xf32, #tpu.memory_space<hbm>>
      tpu.wait_dma2 semaphore(%run_scoped3A : memref<!tpu.dma_semaphore, #tpu.memory_space<semaphore_mem>>) src(%dma_wait3A_99 : memref<4096xf32, #tpu.memory_space<hbm>>) dst(%dma_wait3A_98 : memref<4096xf32, #tpu.memory_space<vmem>>)
      tpu.yield
    }) : () -> ()
    %add3A_12 = arith.constant 48 : i32
    %add3A_13 = arith.addi %add3A_12, %arg1 : i32
    %mul3A_14 = arith.constant 4096 : i32
    %mul3A_15 = arith.muli %add3A_13, %mul3A_14 : i32
    %multiple_of3A_16 = tpu.assume_multiple %mul3A_15, 4096 : i32
    "tpu.region"() ({
      %run_scoped3A = tpu.sem_alloc : memref<!tpu.dma_semaphore, #tpu.memory_space<semaphore_mem>>
      %dma_start3A = arith.constant 12288 : i32
      %dma_start3A_90 = tpu.memref_slice %arg4[%dma_start3A] : memref<65536xf32, #tpu.memory_space<vmem>> -> memref<4096xf32, #tpu.memory_space<vmem>>
      %dma_start3A_91 = tpu.memref_slice %arg2[%multiple_of3A_16] : memref<1048576xf32, #tpu.memory_space<hbm>> -> memref<4096xf32, #tpu.memory_space<hbm>>
      %dma_start3A_92 = arith.constant 12288 : i32
      %dma_start3A_93 = tpu.memref_slice %arg4[%dma_start3A_92] : memref<65536xf32, #tpu.memory_space<vmem>> -> memref<4096xf32, #tpu.memory_space<vmem>>
      %dma_start3A_94 = tpu.memref_slice %arg2[%multiple_of3A_16] : memref<1048576xf32, #tpu.memory_space<hbm>> -> memref<4096xf32, #tpu.memory_space<hbm>>
      tpu.enqueue_dma source(%dma_start3A_94 : memref<4096xf32, #tpu.memory_space<hbm>>) target(%dma_start3A_93 : memref<4096xf32, #tpu.memory_space<vmem>>) target_semaphore(%run_scoped3A : memref<!tpu.dma_semaphore, #tpu.memory_space<semaphore_mem>>)
      %dma_wait3A = arith.constant 12288 : i32
      %dma_wait3A_95 = tpu.memref_slice %arg4[%dma_wait3A] : memref<65536xf32, #tpu.memory_space<vmem>> -> memref<4096xf32, #tpu.memory_space<vmem>>
      %dma_wait3A_96 = tpu.memref_slice %arg2[%multiple_of3A_16] : memref<1048576xf32, #tpu.memory_space<hbm>> -> memref<4096xf32, #tpu.memory_space<hbm>>
      %dma_wait3A_97 = arith.constant 12288 : i32
      %dma_wait3A_98 = tpu.memref_slice %arg4[%dma_wait3A_97] : memref<65536xf32, #tpu.memory_space<vmem>> -> memref<4096xf32, #tpu.memory_space<vmem>>
      %dma_wait3A_99 = tpu.memref_slice %arg2[%multiple_of3A_16] : memref<1048576xf32, #tpu.memory_space<hbm>> -> memref<4096xf32, #tpu.memory_space<hbm>>
      tpu.wait_dma2 semaphore(%run_scoped3A : memref<!tpu.dma_semaphore, #tpu.memory_space<semaphore_mem>>) src(%dma_wait3A_99 : memref<4096xf32, #tpu.memory_space<hbm>>) dst(%dma_wait3A_98 : memref<4096xf32, #tpu.memory_space<vmem>>)
      tpu.yield
    }) : () -> ()
    %add3A_17 = arith.constant 64 : i32
    %add3A_18 = arith.addi %add3A_17, %arg1 : i32
    %mul3A_19 = arith.constant 4096 : i32
    %mul3A_20 = arith.muli %add3A_18, %mul3A_19 : i32
    %multiple_of3A_21 = tpu.assume_multiple %mul3A_20, 4096 : i32
    "tpu.region"() ({
      %run_scoped3A = tpu.sem_alloc : memref<!tpu.dma_semaphore, #tpu.memory_space<semaphore_mem>>
      %dma_start3A = arith.constant 16384 : i32
      %dma_start3A_90 = tpu.memref_slice %arg4[%dma_start3A] : memref<65536xf32, #tpu.memory_space<vmem>> -> memref<4096xf32, #tpu.memory_space<vmem>>
      %dma_start3A_91 = tpu.memref_slice %arg2[%multiple_of3A_21] : memref<1048576xf32, #tpu.memory_space<hbm>> -> memref<4096xf32, #tpu.memory_space<hbm>>
      %dma_start3A_92 = arith.constant 16384 : i32
      %dma_start3A_93 = tpu.memref_slice %arg4[%dma_start3A_92] : memref<65536xf32, #tpu.memory_space<vmem>> -> memref<4096xf32, #tpu.memory_space<vmem>>
      %dma_start3A_94 = tpu.memref_slice %arg2[%multiple_of3A_21] : memref<1048576xf32, #tpu.memory_space<hbm>> -> memref<4096xf32, #tpu.memory_space<hbm>>
      tpu.enqueue_dma source(%dma_start3A_94 : memref<4096xf32, #tpu.memory_space<hbm>>) target(%dma_start3A_93 : memref<4096xf32, #tpu.memory_space<vmem>>) target_semaphore(%run_scoped3A : memref<!tpu.dma_semaphore, #tpu.memory_space<semaphore_mem>>)
      %dma_wait3A = arith.constant 16384 : i32
      %dma_wait3A_95 = tpu.memref_slice %arg4[%dma_wait3A] : memref<65536xf32, #tpu.memory_space<vmem>> -> memref<4096xf32, #tpu.memory_space<vmem>>
      %dma_wait3A_96 = tpu.memref_slice %arg2[%multiple_of3A_21] : memref<1048576xf32, #tpu.memory_space<hbm>> -> memref<4096xf32, #tpu.memory_space<hbm>>
      %dma_wait3A_97 = arith.constant 16384 : i32
      %dma_wait3A_98 = tpu.memref_slice %arg4[%dma_wait3A_97] : memref<65536xf32, #tpu.memory_space<vmem>> -> memref<4096xf32, #tpu.memory_space<vmem>>
      %dma_wait3A_99 = tpu.memref_slice %arg2[%multiple_of3A_21] : memref<1048576xf32, #tpu.memory_space<hbm>> -> memref<4096xf32, #tpu.memory_space<hbm>>
      tpu.wait_dma2 semaphore(%run_scoped3A : memref<!tpu.dma_semaphore, #tpu.memory_space<semaphore_mem>>) src(%dma_wait3A_99 : memref<4096xf32, #tpu.memory_space<hbm>>) dst(%dma_wait3A_98 : memref<4096xf32, #tpu.memory_space<vmem>>)
      tpu.yield
    }) : () -> ()
    %add3A_22 = arith.constant 80 : i32
    %add3A_23 = arith.addi %add3A_22, %arg1 : i32
    %mul3A_24 = arith.constant 4096 : i32
    %mul3A_25 = arith.muli %add3A_23, %mul3A_24 : i32
    %multiple_of3A_26 = tpu.assume_multiple %mul3A_25, 4096 : i32
    "tpu.region"() ({
      %run_scoped3A = tpu.sem_alloc : memref<!tpu.dma_semaphore, #tpu.memory_space<semaphore_mem>>
      %dma_start3A = arith.constant 20480 : i32
      %dma_start3A_90 = tpu.memref_slice %arg4[%dma_start3A] : memref<65536xf32, #tpu.memory_space<vmem>> -> memref<4096xf32, #tpu.memory_space<vmem>>
      %dma_start3A_91 = tpu.memref_slice %arg2[%multiple_of3A_26] : memref<1048576xf32, #tpu.memory_space<hbm>> -> memref<4096xf32, #tpu.memory_space<hbm>>
      %dma_start3A_92 = arith.constant 20480 : i32
      %dma_start3A_93 = tpu.memref_slice %arg4[%dma_start3A_92] : memref<65536xf32, #tpu.memory_space<vmem>> -> memref<4096xf32, #tpu.memory_space<vmem>>
      %dma_start3A_94 = tpu.memref_slice %arg2[%multiple_of3A_26] : memref<1048576xf32, #tpu.memory_space<hbm>> -> memref<4096xf32, #tpu.memory_space<hbm>>
      tpu.enqueue_dma source(%dma_start3A_94 : memref<4096xf32, #tpu.memory_space<hbm>>) target(%dma_start3A_93 : memref<4096xf32, #tpu.memory_space<vmem>>) target_semaphore(%run_scoped3A : memref<!tpu.dma_semaphore, #tpu.memory_space<semaphore_mem>>)
      %dma_wait3A = arith.constant 20480 : i32
      %dma_wait3A_95 = tpu.memref_slice %arg4[%dma_wait3A] : memref<65536xf32, #tpu.memory_space<vmem>> -> memref<4096xf32, #tpu.memory_space<vmem>>
      %dma_wait3A_96 = tpu.memref_slice %arg2[%multiple_of3A_26] : memref<1048576xf32, #tpu.memory_space<hbm>> -> memref<4096xf32, #tpu.memory_space<hbm>>
      %dma_wait3A_97 = arith.constant 20480 : i32
      %dma_wait3A_98 = tpu.memref_slice %arg4[%dma_wait3A_97] : memref<65536xf32, #tpu.memory_space<vmem>> -> memref<4096xf32, #tpu.memory_space<vmem>>
      %dma_wait3A_99 = tpu.memref_slice %arg2[%multiple_of3A_26] : memref<1048576xf32, #tpu.memory_space<hbm>> -> memref<4096xf32, #tpu.memory_space<hbm>>
      tpu.wait_dma2 semaphore(%run_scoped3A : memref<!tpu.dma_semaphore, #tpu.memory_space<semaphore_mem>>) src(%dma_wait3A_99 : memref<4096xf32, #tpu.memory_space<hbm>>) dst(%dma_wait3A_98 : memref<4096xf32, #tpu.memory_space<vmem>>)
      tpu.yield
    }) : () -> ()
    %add3A_27 = arith.constant 96 : i32
    %add3A_28 = arith.addi %add3A_27, %arg1 : i32
    %mul3A_29 = arith.constant 4096 : i32
    %mul3A_30 = arith.muli %add3A_28, %mul3A_29 : i32
    %multiple_of3A_31 = tpu.assume_multiple %mul3A_30, 4096 : i32
    "tpu.region"() ({
      %run_scoped3A = tpu.sem_alloc : memref<!tpu.dma_semaphore, #tpu.memory_space<semaphore_mem>>
      %dma_start3A = arith.constant 24576 : i32
      %dma_start3A_90 = tpu.memref_slice %arg4[%dma_start3A] : memref<65536xf32, #tpu.memory_space<vmem>> -> memref<4096xf32, #tpu.memory_space<vmem>>
      %dma_start3A_91 = tpu.memref_slice %arg2[%multiple_of3A_31] : memref<1048576xf32, #tpu.memory_space<hbm>> -> memref<4096xf32, #tpu.memory_space<hbm>>
      %dma_start3A_92 = arith.constant 24576 : i32
      %dma_start3A_93 = tpu.memref_slice %arg4[%dma_start3A_92] : memref<65536xf32, #tpu.memory_space<vmem>> -> memref<4096xf32, #tpu.memory_space<vmem>>
      %dma_start3A_94 = tpu.memref_slice %arg2[%multiple_of3A_31] : memref<1048576xf32, #tpu.memory_space<hbm>> -> memref<4096xf32, #tpu.memory_space<hbm>>
      tpu.enqueue_dma source(%dma_start3A_94 : memref<4096xf32, #tpu.memory_space<hbm>>) target(%dma_start3A_93 : memref<4096xf32, #tpu.memory_space<vmem>>) target_semaphore(%run_scoped3A : memref<!tpu.dma_semaphore, #tpu.memory_space<semaphore_mem>>)
      %dma_wait3A = arith.constant 24576 : i32
      %dma_wait3A_95 = tpu.memref_slice %arg4[%dma_wait3A] : memref<65536xf32, #tpu.memory_space<vmem>> -> memref<4096xf32, #tpu.memory_space<vmem>>
      %dma_wait3A_96 = tpu.memref_slice %arg2[%multiple_of3A_31] : memref<1048576xf32, #tpu.memory_space<hbm>> -> memref<4096xf32, #tpu.memory_space<hbm>>
      %dma_wait3A_97 = arith.constant 24576 : i32
      %dma_wait3A_98 = tpu.memref_slice %arg4[%dma_wait3A_97] : memref<65536xf32, #tpu.memory_space<vmem>> -> memref<4096xf32, #tpu.memory_space<vmem>>
      %dma_wait3A_99 = tpu.memref_slice %arg2[%multiple_of3A_31] : memref<1048576xf32, #tpu.memory_space<hbm>> -> memref<4096xf32, #tpu.memory_space<hbm>>
      tpu.wait_dma2 semaphore(%run_scoped3A : memref<!tpu.dma_semaphore, #tpu.memory_space<semaphore_mem>>) src(%dma_wait3A_99 : memref<4096xf32, #tpu.memory_space<hbm>>) dst(%dma_wait3A_98 : memref<4096xf32, #tpu.memory_space<vmem>>)
      tpu.yield
    }) : () -> ()
    %add3A_32 = arith.constant 112 : i32
    %add3A_33 = arith.addi %add3A_32, %arg1 : i32
    %mul3A_34 = arith.constant 4096 : i32
    %mul3A_35 = arith.muli %add3A_33, %mul3A_34 : i32
    %multiple_of3A_36 = tpu.assume_multiple %mul3A_35, 4096 : i32
    "tpu.region"() ({
      %run_scoped3A = tpu.sem_alloc : memref<!tpu.dma_semaphore, #tpu.memory_space<semaphore_mem>>
      %dma_start3A = arith.constant 28672 : i32
      %dma_start3A_90 = tpu.memref_slice %arg4[%dma_start3A] : memref<65536xf32, #tpu.memory_space<vmem>> -> memref<4096xf32, #tpu.memory_space<vmem>>
      %dma_start3A_91 = tpu.memref_slice %arg2[%multiple_of3A_36] : memref<1048576xf32, #tpu.memory_space<hbm>> -> memref<4096xf32, #tpu.memory_space<hbm>>
      %dma_start3A_92 = arith.constant 28672 : i32
      %dma_start3A_93 = tpu.memref_slice %arg4[%dma_start3A_92] : memref<65536xf32, #tpu.memory_space<vmem>> -> memref<4096xf32, #tpu.memory_space<vmem>>
      %dma_start3A_94 = tpu.memref_slice %arg2[%multiple_of3A_36] : memref<1048576xf32, #tpu.memory_space<hbm>> -> memref<4096xf32, #tpu.memory_space<hbm>>
      tpu.enqueue_dma source(%dma_start3A_94 : memref<4096xf32, #tpu.memory_space<hbm>>) target(%dma_start3A_93 : memref<4096xf32, #tpu.memory_space<vmem>>) target_semaphore(%run_scoped3A : memref<!tpu.dma_semaphore, #tpu.memory_space<semaphore_mem>>)
      %dma_wait3A = arith.constant 28672 : i32
      %dma_wait3A_95 = tpu.memref_slice %arg4[%dma_wait3A] : memref<65536xf32, #tpu.memory_space<vmem>> -> memref<4096xf32, #tpu.memory_space<vmem>>
      %dma_wait3A_96 = tpu.memref_slice %arg2[%multiple_of3A_36] : memref<1048576xf32, #tpu.memory_space<hbm>> -> memref<4096xf32, #tpu.memory_space<hbm>>
      %dma_wait3A_97 = arith.constant 28672 : i32
      %dma_wait3A_98 = tpu.memref_slice %arg4[%dma_wait3A_97] : memref<65536xf32, #tpu.memory_space<vmem>> -> memref<4096xf32, #tpu.memory_space<vmem>>
      %dma_wait3A_99 = tpu.memref_slice %arg2[%multiple_of3A_36] : memref<1048576xf32, #tpu.memory_space<hbm>> -> memref<4096xf32, #tpu.memory_space<hbm>>
      tpu.wait_dma2 semaphore(%run_scoped3A : memref<!tpu.dma_semaphore, #tpu.memory_space<semaphore_mem>>) src(%dma_wait3A_99 : memref<4096xf32, #tpu.memory_space<hbm>>) dst(%dma_wait3A_98 : memref<4096xf32, #tpu.memory_space<vmem>>)
      tpu.yield
    }) : () -> ()
    %add3A_37 = arith.constant 128 : i32
    %add3A_38 = arith.addi %add3A_37, %arg1 : i32
    %mul3A_39 = arith.constant 4096 : i32
    %mul3A_40 = arith.muli %add3A_38, %mul3A_39 : i32
    %multiple_of3A_41 = tpu.assume_multiple %mul3A_40, 4096 : i32
    "tpu.region"() ({
      %run_scoped3A = tpu.sem_alloc : memref<!tpu.dma_semaphore, #tpu.memory_space<semaphore_mem>>
      %dma_start3A = arith.constant 32768 : i32
      %dma_start3A_90 = tpu.memref_slice %arg4[%dma_start3A] : memref<65536xf32, #tpu.memory_space<vmem>> -> memref<4096xf32, #tpu.memory_space<vmem>>
      %dma_start3A_91 = tpu.memref_slice %arg2[%multiple_of3A_41] : memref<1048576xf32, #tpu.memory_space<hbm>> -> memref<4096xf32, #tpu.memory_space<hbm>>
      %dma_start3A_92 = arith.constant 32768 : i32
      %dma_start3A_93 = tpu.memref_slice %arg4[%dma_start3A_92] : memref<65536xf32, #tpu.memory_space<vmem>> -> memref<4096xf32, #tpu.memory_space<vmem>>
      %dma_start3A_94 = tpu.memref_slice %arg2[%multiple_of3A_41] : memref<1048576xf32, #tpu.memory_space<hbm>> -> memref<4096xf32, #tpu.memory_space<hbm>>
      tpu.enqueue_dma source(%dma_start3A_94 : memref<4096xf32, #tpu.memory_space<hbm>>) target(%dma_start3A_93 : memref<4096xf32, #tpu.memory_space<vmem>>) target_semaphore(%run_scoped3A : memref<!tpu.dma_semaphore, #tpu.memory_space<semaphore_mem>>)
      %dma_wait3A = arith.constant 32768 : i32
      %dma_wait3A_95 = tpu.memref_slice %arg4[%dma_wait3A] : memref<65536xf32, #tpu.memory_space<vmem>> -> memref<4096xf32, #tpu.memory_space<vmem>>
      %dma_wait3A_96 = tpu.memref_slice %arg2[%multiple_of3A_41] : memref<1048576xf32, #tpu.memory_space<hbm>> -> memref<4096xf32, #tpu.memory_space<hbm>>
      %dma_wait3A_97 = arith.constant 32768 : i32
      %dma_wait3A_98 = tpu.memref_slice %arg4[%dma_wait3A_97] : memref<65536xf32, #tpu.memory_space<vmem>> -> memref<4096xf32, #tpu.memory_space<vmem>>
      %dma_wait3A_99 = tpu.memref_slice %arg2[%multiple_of3A_41] : memref<1048576xf32, #tpu.memory_space<hbm>> -> memref<4096xf32, #tpu.memory_space<hbm>>
      tpu.wait_dma2 semaphore(%run_scoped3A : memref<!tpu.dma_semaphore, #tpu.memory_space<semaphore_mem>>) src(%dma_wait3A_99 : memref<4096xf32, #tpu.memory_space<hbm>>) dst(%dma_wait3A_98 : memref<4096xf32, #tpu.memory_space<vmem>>)
      tpu.yield
    }) : () -> ()
    %add3A_42 = arith.constant 144 : i32
    %add3A_43 = arith.addi %add3A_42, %arg1 : i32
    %mul3A_44 = arith.constant 4096 : i32
    %mul3A_45 = arith.muli %add3A_43, %mul3A_44 : i32
    %multiple_of3A_46 = tpu.assume_multiple %mul3A_45, 4096 : i32
    "tpu.region"() ({
      %run_scoped3A = tpu.sem_alloc : memref<!tpu.dma_semaphore, #tpu.memory_space<semaphore_mem>>
      %dma_start3A = arith.constant 36864 : i32
      %dma_start3A_90 = tpu.memref_slice %arg4[%dma_start3A] : memref<65536xf32, #tpu.memory_space<vmem>> -> memref<4096xf32, #tpu.memory_space<vmem>>
      %dma_start3A_91 = tpu.memref_slice %arg2[%multiple_of3A_46] : memref<1048576xf32, #tpu.memory_space<hbm>> -> memref<4096xf32, #tpu.memory_space<hbm>>
      %dma_start3A_92 = arith.constant 36864 : i32
      %dma_start3A_93 = tpu.memref_slice %arg4[%dma_start3A_92] : memref<65536xf32, #tpu.memory_space<vmem>> -> memref<4096xf32, #tpu.memory_space<vmem>>
      %dma_start3A_94 = tpu.memref_slice %arg2[%multiple_of3A_46] : memref<1048576xf32, #tpu.memory_space<hbm>> -> memref<4096xf32, #tpu.memory_space<hbm>>
      tpu.enqueue_dma source(%dma_start3A_94 : memref<4096xf32, #tpu.memory_space<hbm>>) target(%dma_start3A_93 : memref<4096xf32, #tpu.memory_space<vmem>>) target_semaphore(%run_scoped3A : memref<!tpu.dma_semaphore, #tpu.memory_space<semaphore_mem>>)
      %dma_wait3A = arith.constant 36864 : i32
      %dma_wait3A_95 = tpu.memref_slice %arg4[%dma_wait3A] : memref<65536xf32, #tpu.memory_space<vmem>> -> memref<4096xf32, #tpu.memory_space<vmem>>
      %dma_wait3A_96 = tpu.memref_slice %arg2[%multiple_of3A_46] : memref<1048576xf32, #tpu.memory_space<hbm>> -> memref<4096xf32, #tpu.memory_space<hbm>>
      %dma_wait3A_97 = arith.constant 36864 : i32
      %dma_wait3A_98 = tpu.memref_slice %arg4[%dma_wait3A_97] : memref<65536xf32, #tpu.memory_space<vmem>> -> memref<4096xf32, #tpu.memory_space<vmem>>
      %dma_wait3A_99 = tpu.memref_slice %arg2[%multiple_of3A_46] : memref<1048576xf32, #tpu.memory_space<hbm>> -> memref<4096xf32, #tpu.memory_space<hbm>>
      tpu.wait_dma2 semaphore(%run_scoped3A : memref<!tpu.dma_semaphore, #tpu.memory_space<semaphore_mem>>) src(%dma_wait3A_99 : memref<4096xf32, #tpu.memory_space<hbm>>) dst(%dma_wait3A_98 : memref<4096xf32, #tpu.memory_space<vmem>>)
      tpu.yield
    }) : () -> ()
    %add3A_47 = arith.constant 160 : i32
    %add3A_48 = arith.addi %add3A_47, %arg1 : i32
    %mul3A_49 = arith.constant 4096 : i32
    %mul3A_50 = arith.muli %add3A_48, %mul3A_49 : i32
    %multiple_of3A_51 = tpu.assume_multiple %mul3A_50, 4096 : i32
    "tpu.region"() ({
      %run_scoped3A = tpu.sem_alloc : memref<!tpu.dma_semaphore, #tpu.memory_space<semaphore_mem>>
      %dma_start3A = arith.constant 40960 : i32
      %dma_start3A_90 = tpu.memref_slice %arg4[%dma_start3A] : memref<65536xf32, #tpu.memory_space<vmem>> -> memref<4096xf32, #tpu.memory_space<vmem>>
      %dma_start3A_91 = tpu.memref_slice %arg2[%multiple_of3A_51] : memref<1048576xf32, #tpu.memory_space<hbm>> -> memref<4096xf32, #tpu.memory_space<hbm>>
      %dma_start3A_92 = arith.constant 40960 : i32
      %dma_start3A_93 = tpu.memref_slice %arg4[%dma_start3A_92] : memref<65536xf32, #tpu.memory_space<vmem>> -> memref<4096xf32, #tpu.memory_space<vmem>>
      %dma_start3A_94 = tpu.memref_slice %arg2[%multiple_of3A_51] : memref<1048576xf32, #tpu.memory_space<hbm>> -> memref<4096xf32, #tpu.memory_space<hbm>>
      tpu.enqueue_dma source(%dma_start3A_94 : memref<4096xf32, #tpu.memory_space<hbm>>) target(%dma_start3A_93 : memref<4096xf32, #tpu.memory_space<vmem>>) target_semaphore(%run_scoped3A : memref<!tpu.dma_semaphore, #tpu.memory_space<semaphore_mem>>)
      %dma_wait3A = arith.constant 40960 : i32
      %dma_wait3A_95 = tpu.memref_slice %arg4[%dma_wait3A] : memref<65536xf32, #tpu.memory_space<vmem>> -> memref<4096xf32, #tpu.memory_space<vmem>>
      %dma_wait3A_96 = tpu.memref_slice %arg2[%multiple_of3A_51] : memref<1048576xf32, #tpu.memory_space<hbm>> -> memref<4096xf32, #tpu.memory_space<hbm>>
      %dma_wait3A_97 = arith.constant 40960 : i32
      %dma_wait3A_98 = tpu.memref_slice %arg4[%dma_wait3A_97] : memref<65536xf32, #tpu.memory_space<vmem>> -> memref<4096xf32, #tpu.memory_space<vmem>>
      %dma_wait3A_99 = tpu.memref_slice %arg2[%multiple_of3A_51] : memref<1048576xf32, #tpu.memory_space<hbm>> -> memref<4096xf32, #tpu.memory_space<hbm>>
      tpu.wait_dma2 semaphore(%run_scoped3A : memref<!tpu.dma_semaphore, #tpu.memory_space<semaphore_mem>>) src(%dma_wait3A_99 : memref<4096xf32, #tpu.memory_space<hbm>>) dst(%dma_wait3A_98 : memref<4096xf32, #tpu.memory_space<vmem>>)
      tpu.yield
    }) : () -> ()
    %add3A_52 = arith.constant 176 : i32
    %add3A_53 = arith.addi %add3A_52, %arg1 : i32
    %mul3A_54 = arith.constant 4096 : i32
    %mul3A_55 = arith.muli %add3A_53, %mul3A_54 : i32
    %multiple_of3A_56 = tpu.assume_multiple %mul3A_55, 4096 : i32
    "tpu.region"() ({
      %run_scoped3A = tpu.sem_alloc : memref<!tpu.dma_semaphore, #tpu.memory_space<semaphore_mem>>
      %dma_start3A = arith.constant 45056 : i32
      %dma_start3A_90 = tpu.memref_slice %arg4[%dma_start3A] : memref<65536xf32, #tpu.memory_space<vmem>> -> memref<4096xf32, #tpu.memory_space<vmem>>
      %dma_start3A_91 = tpu.memref_slice %arg2[%multiple_of3A_56] : memref<1048576xf32, #tpu.memory_space<hbm>> -> memref<4096xf32, #tpu.memory_space<hbm>>
      %dma_start3A_92 = arith.constant 45056 : i32
      %dma_start3A_93 = tpu.memref_slice %arg4[%dma_start3A_92] : memref<65536xf32, #tpu.memory_space<vmem>> -> memref<4096xf32, #tpu.memory_space<vmem>>
      %dma_start3A_94 = tpu.memref_slice %arg2[%multiple_of3A_56] : memref<1048576xf32, #tpu.memory_space<hbm>> -> memref<4096xf32, #tpu.memory_space<hbm>>
      tpu.enqueue_dma source(%dma_start3A_94 : memref<4096xf32, #tpu.memory_space<hbm>>) target(%dma_start3A_93 : memref<4096xf32, #tpu.memory_space<vmem>>) target_semaphore(%run_scoped3A : memref<!tpu.dma_semaphore, #tpu.memory_space<semaphore_mem>>)
      %dma_wait3A = arith.constant 45056 : i32
      %dma_wait3A_95 = tpu.memref_slice %arg4[%dma_wait3A] : memref<65536xf32, #tpu.memory_space<vmem>> -> memref<4096xf32, #tpu.memory_space<vmem>>
      %dma_wait3A_96 = tpu.memref_slice %arg2[%multiple_of3A_56] : memref<1048576xf32, #tpu.memory_space<hbm>> -> memref<4096xf32, #tpu.memory_space<hbm>>
      %dma_wait3A_97 = arith.constant 45056 : i32
      %dma_wait3A_98 = tpu.memref_slice %arg4[%dma_wait3A_97] : memref<65536xf32, #tpu.memory_space<vmem>> -> memref<4096xf32, #tpu.memory_space<vmem>>
      %dma_wait3A_99 = tpu.memref_slice %arg2[%multiple_of3A_56] : memref<1048576xf32, #tpu.memory_space<hbm>> -> memref<4096xf32, #tpu.memory_space<hbm>>
      tpu.wait_dma2 semaphore(%run_scoped3A : memref<!tpu.dma_semaphore, #tpu.memory_space<semaphore_mem>>) src(%dma_wait3A_99 : memref<4096xf32, #tpu.memory_space<hbm>>) dst(%dma_wait3A_98 : memref<4096xf32, #tpu.memory_space<vmem>>)
      tpu.yield
    }) : () -> ()
    %add3A_57 = arith.constant 192 : i32
    %add3A_58 = arith.addi %add3A_57, %arg1 : i32
    %mul3A_59 = arith.constant 4096 : i32
    %mul3A_60 = arith.muli %add3A_58, %mul3A_59 : i32
    %multiple_of3A_61 = tpu.assume_multiple %mul3A_60, 4096 : i32
    "tpu.region"() ({
      %run_scoped3A = tpu.sem_alloc : memref<!tpu.dma_semaphore, #tpu.memory_space<semaphore_mem>>
      %dma_start3A = arith.constant 49152 : i32
      %dma_start3A_90 = tpu.memref_slice %arg4[%dma_start3A] : memref<65536xf32, #tpu.memory_space<vmem>> -> memref<4096xf32, #tpu.memory_space<vmem>>
      %dma_start3A_91 = tpu.memref_slice %arg2[%multiple_of3A_61] : memref<1048576xf32, #tpu.memory_space<hbm>> -> memref<4096xf32, #tpu.memory_space<hbm>>
      %dma_start3A_92 = arith.constant 49152 : i32
      %dma_start3A_93 = tpu.memref_slice %arg4[%dma_start3A_92] : memref<65536xf32, #tpu.memory_space<vmem>> -> memref<4096xf32, #tpu.memory_space<vmem>>
      %dma_start3A_94 = tpu.memref_slice %arg2[%multiple_of3A_61] : memref<1048576xf32, #tpu.memory_space<hbm>> -> memref<4096xf32, #tpu.memory_space<hbm>>
      tpu.enqueue_dma source(%dma_start3A_94 : memref<4096xf32, #tpu.memory_space<hbm>>) target(%dma_start3A_93 : memref<4096xf32, #tpu.memory_space<vmem>>) target_semaphore(%run_scoped3A : memref<!tpu.dma_semaphore, #tpu.memory_space<semaphore_mem>>)
      %dma_wait3A = arith.constant 49152 : i32
      %dma_wait3A_95 = tpu.memref_slice %arg4[%dma_wait3A] : memref<65536xf32, #tpu.memory_space<vmem>> -> memref<4096xf32, #tpu.memory_space<vmem>>
      %dma_wait3A_96 = tpu.memref_slice %arg2[%multiple_of3A_61] : memref<1048576xf32, #tpu.memory_space<hbm>> -> memref<4096xf32, #tpu.memory_space<hbm>>
      %dma_wait3A_97 = arith.constant 49152 : i32
      %dma_wait3A_98 = tpu.memref_slice %arg4[%dma_wait3A_97] : memref<65536xf32, #tpu.memory_space<vmem>> -> memref<4096xf32, #tpu.memory_space<vmem>>
      %dma_wait3A_99 = tpu.memref_slice %arg2[%multiple_of3A_61] : memref<1048576xf32, #tpu.memory_space<hbm>> -> memref<4096xf32, #tpu.memory_space<hbm>>
      tpu.wait_dma2 semaphore(%run_scoped3A : memref<!tpu.dma_semaphore, #tpu.memory_space<semaphore_mem>>) src(%dma_wait3A_99 : memref<4096xf32, #tpu.memory_space<hbm>>) dst(%dma_wait3A_98 : memref<4096xf32, #tpu.memory_space<vmem>>)
      tpu.yield
    }) : () -> ()
    %add3A_62 = arith.constant 208 : i32
    %add3A_63 = arith.addi %add3A_62, %arg1 : i32
    %mul3A_64 = arith.constant 4096 : i32
    %mul3A_65 = arith.muli %add3A_63, %mul3A_64 : i32
    %multiple_of3A_66 = tpu.assume_multiple %mul3A_65, 4096 : i32
    "tpu.region"() ({
      %run_scoped3A = tpu.sem_alloc : memref<!tpu.dma_semaphore, #tpu.memory_space<semaphore_mem>>
      %dma_start3A = arith.constant 53248 : i32
      %dma_start3A_90 = tpu.memref_slice %arg4[%dma_start3A] : memref<65536xf32, #tpu.memory_space<vmem>> -> memref<4096xf32, #tpu.memory_space<vmem>>
      %dma_start3A_91 = tpu.memref_slice %arg2[%multiple_of3A_66] : memref<1048576xf32, #tpu.memory_space<hbm>> -> memref<4096xf32, #tpu.memory_space<hbm>>
      %dma_start3A_92 = arith.constant 53248 : i32
      %dma_start3A_93 = tpu.memref_slice %arg4[%dma_start3A_92] : memref<65536xf32, #tpu.memory_space<vmem>> -> memref<4096xf32, #tpu.memory_space<vmem>>
      %dma_start3A_94 = tpu.memref_slice %arg2[%multiple_of3A_66] : memref<1048576xf32, #tpu.memory_space<hbm>> -> memref<4096xf32, #tpu.memory_space<hbm>>
      tpu.enqueue_dma source(%dma_start3A_94 : memref<4096xf32, #tpu.memory_space<hbm>>) target(%dma_start3A_93 : memref<4096xf32, #tpu.memory_space<vmem>>) target_semaphore(%run_scoped3A : memref<!tpu.dma_semaphore, #tpu.memory_space<semaphore_mem>>)
      %dma_wait3A = arith.constant 53248 : i32
      %dma_wait3A_95 = tpu.memref_slice %arg4[%dma_wait3A] : memref<65536xf32, #tpu.memory_space<vmem>> -> memref<4096xf32, #tpu.memory_space<vmem>>
      %dma_wait3A_96 = tpu.memref_slice %arg2[%multiple_of3A_66] : memref<1048576xf32, #tpu.memory_space<hbm>> -> memref<4096xf32, #tpu.memory_space<hbm>>
      %dma_wait3A_97 = arith.constant 53248 : i32
      %dma_wait3A_98 = tpu.memref_slice %arg4[%dma_wait3A_97] : memref<65536xf32, #tpu.memory_space<vmem>> -> memref<4096xf32, #tpu.memory_space<vmem>>
      %dma_wait3A_99 = tpu.memref_slice %arg2[%multiple_of3A_66] : memref<1048576xf32, #tpu.memory_space<hbm>> -> memref<4096xf32, #tpu.memory_space<hbm>>
      tpu.wait_dma2 semaphore(%run_scoped3A : memref<!tpu.dma_semaphore, #tpu.memory_space<semaphore_mem>>) src(%dma_wait3A_99 : memref<4096xf32, #tpu.memory_space<hbm>>) dst(%dma_wait3A_98 : memref<4096xf32, #tpu.memory_space<vmem>>)
      tpu.yield
    }) : () -> ()
    %add3A_67 = arith.constant 224 : i32
    %add3A_68 = arith.addi %add3A_67, %arg1 : i32
    %mul3A_69 = arith.constant 4096 : i32
    %mul3A_70 = arith.muli %add3A_68, %mul3A_69 : i32
    %multiple_of3A_71 = tpu.assume_multiple %mul3A_70, 4096 : i32
    "tpu.region"() ({
      %run_scoped3A = tpu.sem_alloc : memref<!tpu.dma_semaphore, #tpu.memory_space<semaphore_mem>>
      %dma_start3A = arith.constant 57344 : i32
      %dma_start3A_90 = tpu.memref_slice %arg4[%dma_start3A] : memref<65536xf32, #tpu.memory_space<vmem>> -> memref<4096xf32, #tpu.memory_space<vmem>>
      %dma_start3A_91 = tpu.memref_slice %arg2[%multiple_of3A_71] : memref<1048576xf32, #tpu.memory_space<hbm>> -> memref<4096xf32, #tpu.memory_space<hbm>>
      %dma_start3A_92 = arith.constant 57344 : i32
      %dma_start3A_93 = tpu.memref_slice %arg4[%dma_start3A_92] : memref<65536xf32, #tpu.memory_space<vmem>> -> memref<4096xf32, #tpu.memory_space<vmem>>
      %dma_start3A_94 = tpu.memref_slice %arg2[%multiple_of3A_71] : memref<1048576xf32, #tpu.memory_space<hbm>> -> memref<4096xf32, #tpu.memory_space<hbm>>
      tpu.enqueue_dma source(%dma_start3A_94 : memref<4096xf32, #tpu.memory_space<hbm>>) target(%dma_start3A_93 : memref<4096xf32, #tpu.memory_space<vmem>>) target_semaphore(%run_scoped3A : memref<!tpu.dma_semaphore, #tpu.memory_space<semaphore_mem>>)
      %dma_wait3A = arith.constant 57344 : i32
      %dma_wait3A_95 = tpu.memref_slice %arg4[%dma_wait3A] : memref<65536xf32, #tpu.memory_space<vmem>> -> memref<4096xf32, #tpu.memory_space<vmem>>
      %dma_wait3A_96 = tpu.memref_slice %arg2[%multiple_of3A_71] : memref<1048576xf32, #tpu.memory_space<hbm>> -> memref<4096xf32, #tpu.memory_space<hbm>>
      %dma_wait3A_97 = arith.constant 57344 : i32
      %dma_wait3A_98 = tpu.memref_slice %arg4[%dma_wait3A_97] : memref<65536xf32, #tpu.memory_space<vmem>> -> memref<4096xf32, #tpu.memory_space<vmem>>
      %dma_wait3A_99 = tpu.memref_slice %arg2[%multiple_of3A_71] : memref<1048576xf32, #tpu.memory_space<hbm>> -> memref<4096xf32, #tpu.memory_space<hbm>>
      tpu.wait_dma2 semaphore(%run_scoped3A : memref<!tpu.dma_semaphore, #tpu.memory_space<semaphore_mem>>) src(%dma_wait3A_99 : memref<4096xf32, #tpu.memory_space<hbm>>) dst(%dma_wait3A_98 : memref<4096xf32, #tpu.memory_space<vmem>>)
      tpu.yield
    }) : () -> ()
    %add3A_72 = arith.constant 240 : i32
    %add3A_73 = arith.addi %add3A_72, %arg1 : i32
    %mul3A_74 = arith.constant 4096 : i32
    %mul3A_75 = arith.muli %add3A_73, %mul3A_74 : i32
    %multiple_of3A_76 = tpu.assume_multiple %mul3A_75, 4096 : i32
    "tpu.region"() ({
      %run_scoped3A = tpu.sem_alloc : memref<!tpu.dma_semaphore, #tpu.memory_space<semaphore_mem>>
      %dma_start3A = arith.constant 61440 : i32
      %dma_start3A_90 = tpu.memref_slice %arg4[%dma_start3A] : memref<65536xf32, #tpu.memory_space<vmem>> -> memref<4096xf32, #tpu.memory_space<vmem>>
      %dma_start3A_91 = tpu.memref_slice %arg2[%multiple_of3A_76] : memref<1048576xf32, #tpu.memory_space<hbm>> -> memref<4096xf32, #tpu.memory_space<hbm>>
      %dma_start3A_92 = arith.constant 61440 : i32
      %dma_start3A_93 = tpu.memref_slice %arg4[%dma_start3A_92] : memref<65536xf32, #tpu.memory_space<vmem>> -> memref<4096xf32, #tpu.memory_space<vmem>>
      %dma_start3A_94 = tpu.memref_slice %arg2[%multiple_of3A_76] : memref<1048576xf32, #tpu.memory_space<hbm>> -> memref<4096xf32, #tpu.memory_space<hbm>>
      tpu.enqueue_dma source(%dma_start3A_94 : memref<4096xf32, #tpu.memory_space<hbm>>) target(%dma_start3A_93 : memref<4096xf32, #tpu.memory_space<vmem>>) target_semaphore(%run_scoped3A : memref<!tpu.dma_semaphore, #tpu.memory_space<semaphore_mem>>)
      %dma_wait3A = arith.constant 61440 : i32
      %dma_wait3A_95 = tpu.memref_slice %arg4[%dma_wait3A] : memref<65536xf32, #tpu.memory_space<vmem>> -> memref<4096xf32, #tpu.memory_space<vmem>>
      %dma_wait3A_96 = tpu.memref_slice %arg2[%multiple_of3A_76] : memref<1048576xf32, #tpu.memory_space<hbm>> -> memref<4096xf32, #tpu.memory_space<hbm>>
      %dma_wait3A_97 = arith.constant 61440 : i32
      %dma_wait3A_98 = tpu.memref_slice %arg4[%dma_wait3A_97] : memref<65536xf32, #tpu.memory_space<vmem>> -> memref<4096xf32, #tpu.memory_space<vmem>>
      %dma_wait3A_99 = tpu.memref_slice %arg2[%multiple_of3A_76] : memref<1048576xf32, #tpu.memory_space<hbm>> -> memref<4096xf32, #tpu.memory_space<hbm>>
      tpu.wait_dma2 semaphore(%run_scoped3A : memref<!tpu.dma_semaphore, #tpu.memory_space<semaphore_mem>>) src(%dma_wait3A_99 : memref<4096xf32, #tpu.memory_space<hbm>>) dst(%dma_wait3A_98 : memref<4096xf32, #tpu.memory_space<vmem>>)
      tpu.yield
    }) : () -> ()
    %mul3A_77 = arith.constant 1024 : i32
    %mul3A_78 = arith.muli %arg0, %mul3A_77 : i32
    %scan3A = arith.constant 0 : i32
    %scan3A_79 = arith.constant 0 : i32
    %scan3A_80 = arith.constant 128 : i32
    %scan3A_81 = arith.addi %scan3A_79, %scan3A_80 : i32
    %scan3A_82 = arith.constant 1 : i32
    scf.for %scan3A_90 = %scan3A_79 to %scan3A_81 step %scan3A_82  : i32 {
      %rem3A = arith.constant 2 : i32
      %rem3A_91 = arith.remsi %scan3A_90, %rem3A : i32
      %ge3A = arith.constant 2 : i32
      %ge3A_92 = arith.cmpi sge, %scan3A_90, %ge3A : i32
      %convert_element_type3A = arith.extui %ge3A_92 : i1 to i32
      %cond3A = arith.constant 0 : i32
      %cond3A_93 = arith.cmpi ne, %convert_element_type3A, %cond3A : i32
      scf.if %cond3A_93 {
        %sub3A_132 = arith.constant 2 : i32
        %sub3A_133 = arith.subi %scan3A_90, %sub3A_132 : i32
        %mul3A_134 = arith.constant 8 : i32
        %mul3A_135 = arith.muli %mul3A_134, %sub3A_133 : i32
        %add3A_136 = arith.addi %mul3A_78, %mul3A_135 : i32
        %multiple_of3A_137 = tpu.assume_multiple %add3A_136, 8 : i32
        %dma_wait3A = arith.constant 0 : i32
        %dma_wait3A_138 = arith.constant 0 : i32
        %dma_wait3A_139 = arith.constant 0 : i32
        %dma_wait3A_140 = arith.constant 0 : i32
        %dma_wait3A_141 = tpu.memref_slice %arg5[%rem3A_91, %dma_wait3A_139, %dma_wait3A_140] : memref<2x8x2048xf32, #tpu.memory_space<vmem>> -> memref<1x8x2048xf32, #tpu.memory_space<vmem>>
        %dma_wait3A_142 = tpu.memref_squeeze %dma_wait3A_141 : memref<1x8x2048xf32, #tpu.memory_space<vmem>> -> memref<8x2048xf32, #tpu.memory_space<vmem>>
        %dma_wait3A_143 = arith.constant 0 : i32
        %dma_wait3A_144 = tpu.memref_slice %arg3[%dma_wait3A, %arg1, %dma_wait3A_138, %multiple_of3A_137, %dma_wait3A_143] : memref<1x16x1x2048x2048xf32, #tpu.memory_space<hbm>> -> memref<1x1x1x8x2048xf32, #tpu.memory_space<hbm>>
        %dma_wait3A_145 = tpu.memref_squeeze %dma_wait3A_144 : memref<1x1x1x8x2048xf32, #tpu.memory_space<hbm>> -> memref<8x2048xf32, #tpu.memory_space<hbm>>
        %dma_wait3A_146 = arith.constant 0 : i32
        %dma_wait3A_147 = tpu.memref_slice %arg3[%dma_wait3A, %arg1, %dma_wait3A_138, %multiple_of3A_137, %dma_wait3A_146] : memref<1x16x1x2048x2048xf32, #tpu.memory_space<hbm>> -> memref<1x1x1x8x2048xf32, #tpu.memory_space<hbm>>
        %dma_wait3A_148 = tpu.memref_squeeze %dma_wait3A_147 : memref<1x1x1x8x2048xf32, #tpu.memory_space<hbm>> -> memref<8x2048xf32, #tpu.memory_space<hbm>>
        %dma_wait3A_149 = arith.constant 0 : i32
        %dma_wait3A_150 = arith.constant 0 : i32
        %dma_wait3A_151 = tpu.memref_slice %arg5[%rem3A_91, %dma_wait3A_149, %dma_wait3A_150] : memref<2x8x2048xf32, #tpu.memory_space<vmem>> -> memref<1x8x2048xf32, #tpu.memory_space<vmem>>
        %dma_wait3A_152 = tpu.memref_squeeze %dma_wait3A_151 : memref<1x8x2048xf32, #tpu.memory_space<vmem>> -> memref<8x2048xf32, #tpu.memory_space<vmem>>
        tpu.wait_dma2 semaphore(%arg6 : memref<!tpu.dma_semaphore, #tpu.memory_space<semaphore_mem>>) src(%dma_wait3A_152 : memref<8x2048xf32, #tpu.memory_space<vmem>>) dst(%dma_wait3A_148 : memref<8x2048xf32, #tpu.memory_space<hbm>>)
      } else {
      }
      %mul3A_94 = arith.constant 8 : i32
      %mul3A_95 = arith.muli %mul3A_94, %scan3A_90 : i32
      %add3A_96 = arith.addi %mul3A_78, %mul3A_95 : i32
      %sub3A = arith.constant 2047 : i32
      %sub3A_97 = arith.subi %sub3A, %add3A_96 : i32
      %sub3A_98 = arith.constant 7 : i32
      %sub3A_99 = arith.subi %sub3A_97, %sub3A_98 : i32
      %rem3A_100 = arith.constant 16 : i32
      %rem3A_101 = arith.remsi %sub3A_99, %rem3A_100 : i32
      %sub3A_102 = arith.constant 7 : i32
      %sub3A_103 = arith.subi %sub3A_97, %sub3A_102 : i32
      %sub3A_104 = arith.subi %sub3A_103, %rem3A_101 : i32
      %add3A_105 = arith.constant 7 : i32
      %add3A_106 = arith.addi %add3A_105, %rem3A_101 : i32
      %mul3A_107 = arith.constant 4096 : i32
      %mul3A_108 = arith.muli %add3A_106, %mul3A_107 : i32
      %add3A_109 = arith.addi %mul3A_108, %sub3A_104 : i32
      %multiple_of3A_110 = tpu.assume_multiple %add3A_109, 16 : i32
      %parallel_loop3A = arith.constant 0 : i32
      %parallel_loop3A_111 = arith.constant 128 : i32
      %parallel_loop3A_112 = arith.constant 1 : i32
      scf.for %parallel_loop3A_132 = %parallel_loop3A to %parallel_loop3A_111 step %parallel_loop3A_112  : i32 {
        %parallel_loop3A_133 = arith.constant 16 : i32
        %parallel_loop3A_134 = arith.muli %parallel_loop3A_132, %parallel_loop3A_133 : i32
        %parallel_loop3A_135 = arith.addi %multiple_of3A_110, %parallel_loop3A_134 : i32
        %parallel_loop3A_136 = arith.constant 0 : i32
        %parallel_loop3A_137 = arith.subi %parallel_loop3A_135, %parallel_loop3A_136 : i32
        %parallel_loop3A_138 = arith.index_cast %parallel_loop3A_137 : i32 to index
        %parallel_loop3A_139 = tpu.vector_load %arg4[%parallel_loop3A_138] {strides = array<i32>} : memref<65536xf32, #tpu.memory_space<vmem>>, vector<16xf32>,
        %parallel_loop3A_140 = vector.shape_cast %parallel_loop3A_139 : vector<16xf32> to vector<16xf32>
        %parallel_loop3A_141 = arith.constant 0 : i32
        %parallel_loop3A_142 = arith.constant 0 : i32
        %parallel_loop3A_143 = arith.constant 0 : i32
        %parallel_loop3A_144 = tpu.memref_slice %arg5[%rem3A_91, %parallel_loop3A_142, %parallel_loop3A_143] : memref<2x8x2048xf32, #tpu.memory_space<vmem>> -> memref<1x8x2048xf32, #tpu.memory_space<vmem>>
        %parallel_loop3A_145 = tpu.memref_squeeze %parallel_loop3A_144 : memref<1x8x2048xf32, #tpu.memory_space<vmem>> -> memref<8x2048xf32, #tpu.memory_space<vmem>>
        %parallel_loop3A_146 = arith.index_cast %parallel_loop3A_141 : i32 to index
        %parallel_loop3A_147 = arith.index_cast %parallel_loop3A_134 : i32 to index
        %parallel_loop3A_148 = tpu.vector_load %parallel_loop3A_145[%parallel_loop3A_146, %parallel_loop3A_147] {strides = array<i32>} : memref<8x2048xf32, #tpu.memory_space<vmem>>, vector<1x16xf32>,
        %parallel_loop3A_149 = vector.shape_cast %parallel_loop3A_148 : vector<1x16xf32> to vector<16xf32>
        %parallel_loop3A_150 = vector.shape_cast %parallel_loop3A_140 : vector<16xf32> to vector<1x16xf32>
        tpu.vector_store %parallel_loop3A_145[%parallel_loop3A_146, %parallel_loop3A_147], %parallel_loop3A_150 {strides = array<i32>} : memref<8x2048xf32, #tpu.memory_space<vmem>>, vector<1x16xf32>,
        %parallel_loop3A_151 = arith.addi %multiple_of3A_110, %parallel_loop3A_134 : i32
        %parallel_loop3A_152 = arith.constant 4096 : i32
        %parallel_loop3A_153 = arith.subi %parallel_loop3A_151, %parallel_loop3A_152 : i32
        %parallel_loop3A_154 = arith.index_cast %parallel_loop3A_153 : i32 to index
        %parallel_loop3A_155 = tpu.vector_load %arg4[%parallel_loop3A_154] {strides = array<i32>} : memref<65536xf32, #tpu.memory_space<vmem>>, vector<16xf32>,
        %parallel_loop3A_156 = vector.shape_cast %parallel_loop3A_155 : vector<16xf32> to vector<16xf32>
        %parallel_loop3A_157 = arith.constant 1 : i32
        %parallel_loop3A_158 = arith.constant 0 : i32
        %parallel_loop3A_159 = arith.constant 0 : i32
        %parallel_loop3A_160 = tpu.memref_slice %arg5[%rem3A_91, %parallel_loop3A_158, %parallel_loop3A_159] : memref<2x8x2048xf32, #tpu.memory_space<vmem>> -> memref<1x8x2048xf32, #tpu.memory_space<vmem>>
        %parallel_loop3A_161 = tpu.memref_squeeze %parallel_loop3A_160 : memref<1x8x2048xf32, #tpu.memory_space<vmem>> -> memref<8x2048xf32, #tpu.memory_space<vmem>>
        %parallel_loop3A_162 = arith.index_cast %parallel_loop3A_157 : i32 to index
        %parallel_loop3A_163 = arith.index_cast %parallel_loop3A_134 : i32 to index
        %parallel_loop3A_164 = tpu.vector_load %parallel_loop3A_161[%parallel_loop3A_162, %parallel_loop3A_163] {strides = array<i32>} : memref<8x2048xf32, #tpu.memory_space<vmem>>, vector<1x16xf32>,
        %parallel_loop3A_165 = vector.shape_cast %parallel_loop3A_164 : vector<1x16xf32> to vector<16xf32>
        %parallel_loop3A_166 = vector.shape_cast %parallel_loop3A_156 : vector<16xf32> to vector<1x16xf32>
        tpu.vector_store %parallel_loop3A_161[%parallel_loop3A_162, %parallel_loop3A_163], %parallel_loop3A_166 {strides = array<i32>} : memref<8x2048xf32, #tpu.memory_space<vmem>>, vector<1x16xf32>,
        %parallel_loop3A_167 = arith.addi %multiple_of3A_110, %parallel_loop3A_134 : i32
        %parallel_loop3A_168 = arith.constant 8192 : i32
        %parallel_loop3A_169 = arith.subi %parallel_loop3A_167, %parallel_loop3A_168 : i32
        %parallel_loop3A_170 = arith.index_cast %parallel_loop3A_169 : i32 to index
        %parallel_loop3A_171 = tpu.vector_load %arg4[%parallel_loop3A_170] {strides = array<i32>} : memref<65536xf32, #tpu.memory_space<vmem>>, vector<16xf32>,
        %parallel_loop3A_172 = vector.shape_cast %parallel_loop3A_171 : vector<16xf32> to vector<16xf32>
        %parallel_loop3A_173 = arith.constant 2 : i32
        %parallel_loop3A_174 = arith.constant 0 : i32
        %parallel_loop3A_175 = arith.constant 0 : i32
        %parallel_loop3A_176 = tpu.memref_slice %arg5[%rem3A_91, %parallel_loop3A_174, %parallel_loop3A_175] : memref<2x8x2048xf32, #tpu.memory_space<vmem>> -> memref<1x8x2048xf32, #tpu.memory_space<vmem>>
        %parallel_loop3A_177 = tpu.memref_squeeze %parallel_loop3A_176 : memref<1x8x2048xf32, #tpu.memory_space<vmem>> -> memref<8x2048xf32, #tpu.memory_space<vmem>>
        %parallel_loop3A_178 = arith.index_cast %parallel_loop3A_173 : i32 to index
        %parallel_loop3A_179 = arith.index_cast %parallel_loop3A_134 : i32 to index
        %parallel_loop3A_180 = tpu.vector_load %parallel_loop3A_177[%parallel_loop3A_178, %parallel_loop3A_179] {strides = array<i32>} : memref<8x2048xf32, #tpu.memory_space<vmem>>, vector<1x16xf32>,
        %parallel_loop3A_181 = vector.shape_cast %parallel_loop3A_180 : vector<1x16xf32> to vector<16xf32>
        %parallel_loop3A_182 = vector.shape_cast %parallel_loop3A_172 : vector<16xf32> to vector<1x16xf32>
        tpu.vector_store %parallel_loop3A_177[%parallel_loop3A_178, %parallel_loop3A_179], %parallel_loop3A_182 {strides = array<i32>} : memref<8x2048xf32, #tpu.memory_space<vmem>>, vector<1x16xf32>,
        %parallel_loop3A_183 = arith.addi %multiple_of3A_110, %parallel_loop3A_134 : i32
        %parallel_loop3A_184 = arith.constant 12288 : i32
        %parallel_loop3A_185 = arith.subi %parallel_loop3A_183, %parallel_loop3A_184 : i32
        %parallel_loop3A_186 = arith.index_cast %parallel_loop3A_185 : i32 to index
        %parallel_loop3A_187 = tpu.vector_load %arg4[%parallel_loop3A_186] {strides = array<i32>} : memref<65536xf32, #tpu.memory_space<vmem>>, vector<16xf32>,
        %parallel_loop3A_188 = vector.shape_cast %parallel_loop3A_187 : vector<16xf32> to vector<16xf32>
        %parallel_loop3A_189 = arith.constant 3 : i32
        %parallel_loop3A_190 = arith.constant 0 : i32
        %parallel_loop3A_191 = arith.constant 0 : i32
        %parallel_loop3A_192 = tpu.memref_slice %arg5[%rem3A_91, %parallel_loop3A_190, %parallel_loop3A_191] : memref<2x8x2048xf32, #tpu.memory_space<vmem>> -> memref<1x8x2048xf32, #tpu.memory_space<vmem>>
        %parallel_loop3A_193 = tpu.memref_squeeze %parallel_loop3A_192 : memref<1x8x2048xf32, #tpu.memory_space<vmem>> -> memref<8x2048xf32, #tpu.memory_space<vmem>>
        %parallel_loop3A_194 = arith.index_cast %parallel_loop3A_189 : i32 to index
        %parallel_loop3A_195 = arith.index_cast %parallel_loop3A_134 : i32 to index
        %parallel_loop3A_196 = tpu.vector_load %parallel_loop3A_193[%parallel_loop3A_194, %parallel_loop3A_195] {strides = array<i32>} : memref<8x2048xf32, #tpu.memory_space<vmem>>, vector<1x16xf32>,
        %parallel_loop3A_197 = vector.shape_cast %parallel_loop3A_196 : vector<1x16xf32> to vector<16xf32>
        %parallel_loop3A_198 = vector.shape_cast %parallel_loop3A_188 : vector<16xf32> to vector<1x16xf32>
        tpu.vector_store %parallel_loop3A_193[%parallel_loop3A_194, %parallel_loop3A_195], %parallel_loop3A_198 {strides = array<i32>} : memref<8x2048xf32, #tpu.memory_space<vmem>>, vector<1x16xf32>,
        %parallel_loop3A_199 = arith.addi %multiple_of3A_110, %parallel_loop3A_134 : i32
        %parallel_loop3A_200 = arith.constant 16384 : i32
        %parallel_loop3A_201 = arith.subi %parallel_loop3A_199, %parallel_loop3A_200 : i32
        %parallel_loop3A_202 = arith.index_cast %parallel_loop3A_201 : i32 to index
        %parallel_loop3A_203 = tpu.vector_load %arg4[%parallel_loop3A_202] {strides = array<i32>} : memref<65536xf32, #tpu.memory_space<vmem>>, vector<16xf32>,
        %parallel_loop3A_204 = vector.shape_cast %parallel_loop3A_203 : vector<16xf32> to vector<16xf32>
        %parallel_loop3A_205 = arith.constant 4 : i32
        %parallel_loop3A_206 = arith.constant 0 : i32
        %parallel_loop3A_207 = arith.constant 0 : i32
        %parallel_loop3A_208 = tpu.memref_slice %arg5[%rem3A_91, %parallel_loop3A_206, %parallel_loop3A_207] : memref<2x8x2048xf32, #tpu.memory_space<vmem>> -> memref<1x8x2048xf32, #tpu.memory_space<vmem>>
        %parallel_loop3A_209 = tpu.memref_squeeze %parallel_loop3A_208 : memref<1x8x2048xf32, #tpu.memory_space<vmem>> -> memref<8x2048xf32, #tpu.memory_space<vmem>>
        %parallel_loop3A_210 = arith.index_cast %parallel_loop3A_205 : i32 to index
        %parallel_loop3A_211 = arith.index_cast %parallel_loop3A_134 : i32 to index
        %parallel_loop3A_212 = tpu.vector_load %parallel_loop3A_209[%parallel_loop3A_210, %parallel_loop3A_211] {strides = array<i32>} : memref<8x2048xf32, #tpu.memory_space<vmem>>, vector<1x16xf32>,
        %parallel_loop3A_213 = vector.shape_cast %parallel_loop3A_212 : vector<1x16xf32> to vector<16xf32>
        %parallel_loop3A_214 = vector.shape_cast %parallel_loop3A_204 : vector<16xf32> to vector<1x16xf32>
        tpu.vector_store %parallel_loop3A_209[%parallel_loop3A_210, %parallel_loop3A_211], %parallel_loop3A_214 {strides = array<i32>} : memref<8x2048xf32, #tpu.memory_space<vmem>>, vector<1x16xf32>,
        %parallel_loop3A_215 = arith.addi %multiple_of3A_110, %parallel_loop3A_134 : i32
        %parallel_loop3A_216 = arith.constant 20480 : i32
        %parallel_loop3A_217 = arith.subi %parallel_loop3A_215, %parallel_loop3A_216 : i32
        %parallel_loop3A_218 = arith.index_cast %parallel_loop3A_217 : i32 to index
        %parallel_loop3A_219 = tpu.vector_load %arg4[%parallel_loop3A_218] {strides = array<i32>} : memref<65536xf32, #tpu.memory_space<vmem>>, vector<16xf32>,
        %parallel_loop3A_220 = vector.shape_cast %parallel_loop3A_219 : vector<16xf32> to vector<16xf32>
        %parallel_loop3A_221 = arith.constant 5 : i32
        %parallel_loop3A_222 = arith.constant 0 : i32
        %parallel_loop3A_223 = arith.constant 0 : i32
        %parallel_loop3A_224 = tpu.memref_slice %arg5[%rem3A_91, %parallel_loop3A_222, %parallel_loop3A_223] : memref<2x8x2048xf32, #tpu.memory_space<vmem>> -> memref<1x8x2048xf32, #tpu.memory_space<vmem>>
        %parallel_loop3A_225 = tpu.memref_squeeze %parallel_loop3A_224 : memref<1x8x2048xf32, #tpu.memory_space<vmem>> -> memref<8x2048xf32, #tpu.memory_space<vmem>>
        %parallel_loop3A_226 = arith.index_cast %parallel_loop3A_221 : i32 to index
        %parallel_loop3A_227 = arith.index_cast %parallel_loop3A_134 : i32 to index
        %parallel_loop3A_228 = tpu.vector_load %parallel_loop3A_225[%parallel_loop3A_226, %parallel_loop3A_227] {strides = array<i32>} : memref<8x2048xf32, #tpu.memory_space<vmem>>, vector<1x16xf32>,
        %parallel_loop3A_229 = vector.shape_cast %parallel_loop3A_228 : vector<1x16xf32> to vector<16xf32>
        %parallel_loop3A_230 = vector.shape_cast %parallel_loop3A_220 : vector<16xf32> to vector<1x16xf32>
        tpu.vector_store %parallel_loop3A_225[%parallel_loop3A_226, %parallel_loop3A_227], %parallel_loop3A_230 {strides = array<i32>} : memref<8x2048xf32, #tpu.memory_space<vmem>>, vector<1x16xf32>,
        %parallel_loop3A_231 = arith.addi %multiple_of3A_110, %parallel_loop3A_134 : i32
        %parallel_loop3A_232 = arith.constant 24576 : i32
        %parallel_loop3A_233 = arith.subi %parallel_loop3A_231, %parallel_loop3A_232 : i32
        %parallel_loop3A_234 = arith.index_cast %parallel_loop3A_233 : i32 to index
        %parallel_loop3A_235 = tpu.vector_load %arg4[%parallel_loop3A_234] {strides = array<i32>} : memref<65536xf32, #tpu.memory_space<vmem>>, vector<16xf32>,
        %parallel_loop3A_236 = vector.shape_cast %parallel_loop3A_235 : vector<16xf32> to vector<16xf32>
        %parallel_loop3A_237 = arith.constant 6 : i32
        %parallel_loop3A_238 = arith.constant 0 : i32
        %parallel_loop3A_239 = arith.constant 0 : i32
        %parallel_loop3A_240 = tpu.memref_slice %arg5[%rem3A_91, %parallel_loop3A_238, %parallel_loop3A_239] : memref<2x8x2048xf32, #tpu.memory_space<vmem>> -> memref<1x8x2048xf32, #tpu.memory_space<vmem>>
        %parallel_loop3A_241 = tpu.memref_squeeze %parallel_loop3A_240 : memref<1x8x2048xf32, #tpu.memory_space<vmem>> -> memref<8x2048xf32, #tpu.memory_space<vmem>>
        %parallel_loop3A_242 = arith.index_cast %parallel_loop3A_237 : i32 to index
        %parallel_loop3A_243 = arith.index_cast %parallel_loop3A_134 : i32 to index
        %parallel_loop3A_244 = tpu.vector_load %parallel_loop3A_241[%parallel_loop3A_242, %parallel_loop3A_243] {strides = array<i32>} : memref<8x2048xf32, #tpu.memory_space<vmem>>, vector<1x16xf32>,
        %parallel_loop3A_245 = vector.shape_cast %parallel_loop3A_244 : vector<1x16xf32> to vector<16xf32>
        %parallel_loop3A_246 = vector.shape_cast %parallel_loop3A_236 : vector<16xf32> to vector<1x16xf32>
        tpu.vector_store %parallel_loop3A_241[%parallel_loop3A_242, %parallel_loop3A_243], %parallel_loop3A_246 {strides = array<i32>} : memref<8x2048xf32, #tpu.memory_space<vmem>>, vector<1x16xf32>,
        %parallel_loop3A_247 = arith.addi %multiple_of3A_110, %parallel_loop3A_134 : i32
        %parallel_loop3A_248 = arith.constant 28672 : i32
        %parallel_loop3A_249 = arith.subi %parallel_loop3A_247, %parallel_loop3A_248 : i32
        %parallel_loop3A_250 = arith.index_cast %parallel_loop3A_249 : i32 to index
        %parallel_loop3A_251 = tpu.vector_load %arg4[%parallel_loop3A_250] {strides = array<i32>} : memref<65536xf32, #tpu.memory_space<vmem>>, vector<16xf32>,
        %parallel_loop3A_252 = vector.shape_cast %parallel_loop3A_251 : vector<16xf32> to vector<16xf32>
        %parallel_loop3A_253 = arith.constant 7 : i32
        %parallel_loop3A_254 = arith.constant 0 : i32
        %parallel_loop3A_255 = arith.constant 0 : i32
        %parallel_loop3A_256 = tpu.memref_slice %arg5[%rem3A_91, %parallel_loop3A_254, %parallel_loop3A_255] : memref<2x8x2048xf32, #tpu.memory_space<vmem>> -> memref<1x8x2048xf32, #tpu.memory_space<vmem>>
        %parallel_loop3A_257 = tpu.memref_squeeze %parallel_loop3A_256 : memref<1x8x2048xf32, #tpu.memory_space<vmem>> -> memref<8x2048xf32, #tpu.memory_space<vmem>>
        %parallel_loop3A_258 = arith.index_cast %parallel_loop3A_253 : i32 to index
        %parallel_loop3A_259 = arith.index_cast %parallel_loop3A_134 : i32 to index
        %parallel_loop3A_260 = tpu.vector_load %parallel_loop3A_257[%parallel_loop3A_258, %parallel_loop3A_259] {strides = array<i32>} : memref<8x2048xf32, #tpu.memory_space<vmem>>, vector<1x16xf32>,
        %parallel_loop3A_261 = vector.shape_cast %parallel_loop3A_260 : vector<1x16xf32> to vector<16xf32>
        %parallel_loop3A_262 = vector.shape_cast %parallel_loop3A_252 : vector<16xf32> to vector<1x16xf32>
        tpu.vector_store %parallel_loop3A_257[%parallel_loop3A_258, %parallel_loop3A_259], %parallel_loop3A_262 {strides = array<i32>} : memref<8x2048xf32, #tpu.memory_space<vmem>>, vector<1x16xf32>,
      } {sc.loop_unroll_factor = 8 : i64, sc.parallel_access}
      %mul3A_113 = arith.constant 8 : i32
      %mul3A_114 = arith.muli %mul3A_113, %scan3A_90 : i32
      %add3A_115 = arith.addi %mul3A_78, %mul3A_114 : i32
      %multiple_of3A_116 = tpu.assume_multiple %add3A_115, 8 : i32
      %dma_start3A = arith.constant 0 : i32
      %dma_start3A_117 = arith.constant 0 : i32
      %dma_start3A_118 = arith.constant 0 : i32
      %dma_start3A_119 = arith.constant 0 : i32
      %dma_start3A_120 = tpu.memref_slice %arg5[%rem3A_91, %dma_start3A_118, %dma_start3A_119] : memref<2x8x2048xf32, #tpu.memory_space<vmem>> -> memref<1x8x2048xf32, #tpu.memory_space<vmem>>
      %dma_start3A_121 = tpu.memref_squeeze %dma_start3A_120 : memref<1x8x2048xf32, #tpu.memory_space<vmem>> -> memref<8x2048xf32, #tpu.memory_space<vmem>>
      %dma_start3A_122 = arith.constant 0 : i32
      %dma_start3A_123 = tpu.memref_slice %arg3[%dma_start3A, %arg1, %dma_start3A_117, %multiple_of3A_116, %dma_start3A_122] : memref<1x16x1x2048x2048xf32, #tpu.memory_space<hbm>> -> memref<1x1x1x8x2048xf32, #tpu.memory_space<hbm>>
      %dma_start3A_124 = tpu.memref_squeeze %dma_start3A_123 : memref<1x1x1x8x2048xf32, #tpu.memory_space<hbm>> -> memref<8x2048xf32, #tpu.memory_space<hbm>>
      %dma_start3A_125 = arith.constant 0 : i32
      %dma_start3A_126 = tpu.memref_slice %arg3[%dma_start3A, %arg1, %dma_start3A_117, %multiple_of3A_116, %dma_start3A_125] : memref<1x16x1x2048x2048xf32, #tpu.memory_space<hbm>> -> memref<1x1x1x8x2048xf32, #tpu.memory_space<hbm>>
      %dma_start3A_127 = tpu.memref_squeeze %dma_start3A_126 : memref<1x1x1x8x2048xf32, #tpu.memory_space<hbm>> -> memref<8x2048xf32, #tpu.memory_space<hbm>>
      %dma_start3A_128 = arith.constant 0 : i32
      %dma_start3A_129 = arith.constant 0 : i32
      %dma_start3A_130 = tpu.memref_slice %arg5[%rem3A_91, %dma_start3A_128, %dma_start3A_129] : memref<2x8x2048xf32, #tpu.memory_space<vmem>> -> memref<1x8x2048xf32, #tpu.memory_space<vmem>>
      %dma_start3A_131 = tpu.memref_squeeze %dma_start3A_130 : memref<1x8x2048xf32, #tpu.memory_space<vmem>> -> memref<8x2048xf32, #tpu.memory_space<vmem>>
      tpu.enqueue_dma source(%dma_start3A_131 : memref<8x2048xf32, #tpu.memory_space<vmem>>) target(%dma_start3A_127 : memref<8x2048xf32, #tpu.memory_space<hbm>>) target_semaphore(%arg6 : memref<!tpu.dma_semaphore, #tpu.memory_space<semaphore_mem>>)
    }
    %scan3A_83 = arith.constant 128 : i32
    %scan3A_84 = arith.constant 0 : i32
    %scan3A_85 = arith.constant 126 : i32
    %scan3A_86 = arith.constant 2 : i32
    %scan3A_87 = arith.addi %scan3A_85, %scan3A_86 : i32
    %scan3A_88 = arith.constant 1 : i32
    scf.for %scan3A_90 = %scan3A_85 to %scan3A_87 step %scan3A_88  : i32 {
      %rem3A = arith.constant 2 : i32
      %rem3A_91 = arith.remsi %scan3A_90, %rem3A : i32
      %mul3A_92 = arith.constant 8 : i32
      %mul3A_93 = arith.muli %mul3A_92, %scan3A_90 : i32
      %add3A_94 = arith.addi %mul3A_78, %mul3A_93 : i32
      %multiple_of3A_95 = tpu.assume_multiple %add3A_94, 8 : i32
      %dma_wait3A = arith.constant 0 : i32
      %dma_wait3A_96 = arith.constant 0 : i32
      %dma_wait3A_97 = arith.constant 0 : i32
      %dma_wait3A_98 = arith.constant 0 : i32
      %dma_wait3A_99 = tpu.memref_slice %arg5[%rem3A_91, %dma_wait3A_97, %dma_wait3A_98] : memref<2x8x2048xf32, #tpu.memory_space<vmem>> -> memref<1x8x2048xf32, #tpu.memory_space<vmem>>
      %dma_wait3A_100 = tpu.memref_squeeze %dma_wait3A_99 : memref<1x8x2048xf32, #tpu.memory_space<vmem>> -> memref<8x2048xf32, #tpu.memory_space<vmem>>
      %dma_wait3A_101 = arith.constant 0 : i32
      %dma_wait3A_102 = tpu.memref_slice %arg3[%dma_wait3A, %arg1, %dma_wait3A_96, %multiple_of3A_95, %dma_wait3A_101] : memref<1x16x1x2048x2048xf32, #tpu.memory_space<hbm>> -> memref<1x1x1x8x2048xf32, #tpu.memory_space<hbm>>
      %dma_wait3A_103 = tpu.memref_squeeze %dma_wait3A_102 : memref<1x1x1x8x2048xf32, #tpu.memory_space<hbm>> -> memref<8x2048xf32, #tpu.memory_space<hbm>>
      %dma_wait3A_104 = arith.constant 0 : i32
      %dma_wait3A_105 = tpu.memref_slice %arg3[%dma_wait3A, %arg1, %dma_wait3A_96, %multiple_of3A_95, %dma_wait3A_104] : memref<1x16x1x2048x2048xf32, #tpu.memory_space<hbm>> -> memref<1x1x1x8x2048xf32, #tpu.memory_space<hbm>>
      %dma_wait3A_106 = tpu.memref_squeeze %dma_wait3A_105 : memref<1x1x1x8x2048xf32, #tpu.memory_space<hbm>> -> memref<8x2048xf32, #tpu.memory_space<hbm>>
      %dma_wait3A_107 = arith.constant 0 : i32
      %dma_wait3A_108 = arith.constant 0 : i32
      %dma_wait3A_109 = tpu.memref_slice %arg5[%rem3A_91, %dma_wait3A_107, %dma_wait3A_108] : memref<2x8x2048xf32, #tpu.memory_space<vmem>> -> memref<1x8x2048xf32, #tpu.memory_space<vmem>>
      %dma_wait3A_110 = tpu.memref_squeeze %dma_wait3A_109 : memref<1x8x2048xf32, #tpu.memory_space<vmem>> -> memref<8x2048xf32, #tpu.memory_space<vmem>>
      tpu.wait_dma2 semaphore(%arg6 : memref<!tpu.dma_semaphore, #tpu.memory_space<semaphore_mem>>) src(%dma_wait3A_110 : memref<8x2048xf32, #tpu.memory_space<vmem>>) dst(%dma_wait3A_106 : memref<8x2048xf32, #tpu.memory_space<hbm>>)
    }
    %scan3A_89 = arith.constant 2 : i32
    return
  }
}

module attributes {stable_mosaic.version = 14 : i64} {
  func.func @_build_lut_body(%arg0: memref<16x32xf32, #tpu.memory_space<vmem>>, %arg1: memref<16x16x4096xf32, #tpu.memory_space<vmem>>) attributes {dimension_semantics = [], scalar_prefetch = 0 : i64, scratch_operands = 0 : i64, tpu.core_type = #tpu.core_type<tc>} {
    %iota3A = tpu.iota {dimensions = array<i32: 1>} : vector<32x4224xi32>
    %iota3A_0 = tpu.iota {dimensions = array<i32: 0>} : vector<32x4224xi32>
    %sub3A = arith.constant 2047 : i32
    %sub3A_1 = vector.broadcast %sub3A : i32 to vector<32x4224xi32>
    %sub3A_2 = arith.subi %sub3A_1, %iota3A : vector<32x4224xi32>
    %lt3A = arith.constant 0 : i32
    %lt3A_3 = vector.broadcast %lt3A : i32 to vector<32x4224xi32>
    %lt3A_4 = arith.cmpi slt, %sub3A_2, %lt3A_3 : vector<32x4224xi32>
    %jit3A = arith.constant 16 : i32
    %jit3A_5 = arith.constant 0 : i32
    %broadcast_in_dim3A = vector.broadcast %jit3A : i32 to vector<32x4224xi32>
    %broadcast_in_dim3A_6 = vector.broadcast %jit3A_5 : i32 to vector<32x4224xi32>
    %select_n3A = arith.select %lt3A_4, %broadcast_in_dim3A, %broadcast_in_dim3A_6 : vector<32x4224xi1>, vector<32x4224xi32>
    %abs3A = math.absi %sub3A_2 : vector<32x4224xi32>
    %max3A = arith.constant 1 : i32
    %max3A_7 = vector.broadcast %max3A : i32 to vector<32x4224xi32>
    %max3A_8 = arith.maxsi %abs3A, %max3A_7 : vector<32x4224xi32>
    %convert_element_type3A = arith.sitofp %max3A_8 : vector<32x4224xi32> to vector<32x4224xf32>
    %div3A = arith.constant 8.000000e+00 : f32
    %div3A_9 = vector.broadcast %div3A : f32 to vector<32x4224xf32>
    %div3A_10 = arith.divf %convert_element_type3A, %div3A_9 : vector<32x4224xf32>
    %log3A = math.log %div3A_10 : vector<32x4224xf32>
    %div3A_11 = arith.constant 2.77258873 : f32
    %div3A_12 = vector.broadcast %div3A_11 : f32 to vector<32x4224xf32>
    %div3A_13 = arith.divf %log3A, %div3A_12 : vector<32x4224xf32>
    %mul3A = arith.constant 8.000000e+00 : f32
    %mul3A_14 = vector.broadcast %mul3A : f32 to vector<32x4224xf32>
    %mul3A_15 = arith.mulf %div3A_13, %mul3A_14 : vector<32x4224xf32>
    %convert_element_type3A_16 = arith.fptosi %mul3A_15 : vector<32x4224xf32> to vector<32x4224xi32>
    %add3A = arith.constant 8 : i32
    %add3A_17 = vector.broadcast %add3A : i32 to vector<32x4224xi32>
    %add3A_18 = arith.addi %add3A_17, %convert_element_type3A_16 : vector<32x4224xi32>
    %min3A = arith.constant 15 : i32
    %min3A_19 = vector.broadcast %min3A : i32 to vector<32x4224xi32>
    %min3A_20 = arith.minsi %add3A_18, %min3A_19 : vector<32x4224xi32>
    %lt3A_21 = arith.constant 8 : i32
    %lt3A_22 = vector.broadcast %lt3A_21 : i32 to vector<32x4224xi32>
    %lt3A_23 = arith.cmpi slt, %abs3A, %lt3A_22 : vector<32x4224xi32>
    %select_n3A_24 = arith.select %lt3A_23, %abs3A, %min3A_20 : vector<32x4224xi1>, vector<32x4224xi32>
    %add3A_25 = arith.addi %select_n3A, %select_n3A_24 : vector<32x4224xi32>
    %eq3A = arith.cmpi eq, %add3A_25, %iota3A_0 : vector<32x4224xi32>
    %convert_element_type3A_26 = arith.extui %eq3A : vector<32x4224xi1> to vector<32x4224xi32>
    %convert_element_type3A_27 = arith.sitofp %convert_element_type3A_26 : vector<32x4224xi32> to vector<32x4224xf32>
    %get3A = arith.constant 0 : index
    %get3A_28 = arith.constant 0 : index
    %get3A_29 = vector.load %arg0[%get3A, %get3A_28] : memref<16x32xf32, #tpu.memory_space<vmem>>, vector<16x32xf32>
    %dot_general3A = arith.constant dense<0.000000e+00> : vector<16x4224xf32>
    %dot_general3A_30 = tpu.matmul %get3A_29, %convert_element_type3A_27, %dot_general3A {dimension_numbers = #tpu.dot_dimension_numbers<[1], [0], [0], [1], [0, 0, 1, 1], [], []>, transpose_lhs_hint = false} : vector<16x32xf32>, vector<32x4224xf32>, vector<16x4224xf32> -> vector<16x4224xf32>
    %mul3A_31 = arith.constant 1.250000e-01 : f32
    %mul3A_32 = vector.broadcast %mul3A_31 : f32 to vector<16x4224xf32>
    %mul3A_33 = arith.mulf %dot_general3A_30, %mul3A_32 : vector<16x4224xf32>
    %slice3A = vector.extract_strided_slice %mul3A_33 {offsets = [0, 0], sizes = [16, 4096], strides = [1, 1]} : vector<16x4224xf32> to vector<16x4096xf32>
    %swap3A = arith.constant 0 : index
    %swap3A_34 = arith.constant 0 : index
    %swap3A_35 = arith.constant 0 : index
    %swap3A_36 = vector.load %arg1[%swap3A, %swap3A_34, %swap3A_35] : memref<16x16x4096xf32, #tpu.memory_space<vmem>>, vector<1x16x4096xf32>
    %swap3A_37 = vector.shape_cast %swap3A_36 : vector<1x16x4096xf32> to vector<16x4096xf32>
    %swap3A_38 = vector.shape_cast %slice3A : vector<16x4096xf32> to vector<1x16x4096xf32>
    tpu.vector_store %arg1[%swap3A, %swap3A_34, %swap3A_35], %swap3A_38 {strides = array<i32>} : memref<16x16x4096xf32, #tpu.memory_space<vmem>>, vector<1x16x4096xf32>,
    %slice3A_39 = vector.extract_strided_slice %mul3A_33 {offsets = [0, 1], sizes = [16, 4096], strides = [1, 1]} : vector<16x4224xf32> to vector<16x4096xf32>
    %swap3A_40 = arith.constant 1 : index
    %swap3A_41 = arith.constant 0 : index
    %swap3A_42 = arith.constant 0 : index
    %swap3A_43 = vector.load %arg1[%swap3A_40, %swap3A_41, %swap3A_42] : memref<16x16x4096xf32, #tpu.memory_space<vmem>>, vector<1x16x4096xf32>
    %swap3A_44 = vector.shape_cast %swap3A_43 : vector<1x16x4096xf32> to vector<16x4096xf32>
    %swap3A_45 = vector.shape_cast %slice3A_39 : vector<16x4096xf32> to vector<1x16x4096xf32>
    tpu.vector_store %arg1[%swap3A_40, %swap3A_41, %swap3A_42], %swap3A_45 {strides = array<i32>} : memref<16x16x4096xf32, #tpu.memory_space<vmem>>, vector<1x16x4096xf32>,
    %slice3A_46 = vector.extract_strided_slice %mul3A_33 {offsets = [0, 2], sizes = [16, 4096], strides = [1, 1]} : vector<16x4224xf32> to vector<16x4096xf32>
    %swap3A_47 = arith.constant 2 : index
    %swap3A_48 = arith.constant 0 : index
    %swap3A_49 = arith.constant 0 : index
    %swap3A_50 = vector.load %arg1[%swap3A_47, %swap3A_48, %swap3A_49] : memref<16x16x4096xf32, #tpu.memory_space<vmem>>, vector<1x16x4096xf32>
    %swap3A_51 = vector.shape_cast %swap3A_50 : vector<1x16x4096xf32> to vector<16x4096xf32>
    %swap3A_52 = vector.shape_cast %slice3A_46 : vector<16x4096xf32> to vector<1x16x4096xf32>
    tpu.vector_store %arg1[%swap3A_47, %swap3A_48, %swap3A_49], %swap3A_52 {strides = array<i32>} : memref<16x16x4096xf32, #tpu.memory_space<vmem>>, vector<1x16x4096xf32>,
    %slice3A_53 = vector.extract_strided_slice %mul3A_33 {offsets = [0, 3], sizes = [16, 4096], strides = [1, 1]} : vector<16x4224xf32> to vector<16x4096xf32>
    %swap3A_54 = arith.constant 3 : index
    %swap3A_55 = arith.constant 0 : index
    %swap3A_56 = arith.constant 0 : index
    %swap3A_57 = vector.load %arg1[%swap3A_54, %swap3A_55, %swap3A_56] : memref<16x16x4096xf32, #tpu.memory_space<vmem>>, vector<1x16x4096xf32>
    %swap3A_58 = vector.shape_cast %swap3A_57 : vector<1x16x4096xf32> to vector<16x4096xf32>
    %swap3A_59 = vector.shape_cast %slice3A_53 : vector<16x4096xf32> to vector<1x16x4096xf32>
    tpu.vector_store %arg1[%swap3A_54, %swap3A_55, %swap3A_56], %swap3A_59 {strides = array<i32>} : memref<16x16x4096xf32, #tpu.memory_space<vmem>>, vector<1x16x4096xf32>,
    %slice3A_60 = vector.extract_strided_slice %mul3A_33 {offsets = [0, 4], sizes = [16, 4096], strides = [1, 1]} : vector<16x4224xf32> to vector<16x4096xf32>
    %swap3A_61 = arith.constant 4 : index
    %swap3A_62 = arith.constant 0 : index
    %swap3A_63 = arith.constant 0 : index
    %swap3A_64 = vector.load %arg1[%swap3A_61, %swap3A_62, %swap3A_63] : memref<16x16x4096xf32, #tpu.memory_space<vmem>>, vector<1x16x4096xf32>
    %swap3A_65 = vector.shape_cast %swap3A_64 : vector<1x16x4096xf32> to vector<16x4096xf32>
    %swap3A_66 = vector.shape_cast %slice3A_60 : vector<16x4096xf32> to vector<1x16x4096xf32>
    tpu.vector_store %arg1[%swap3A_61, %swap3A_62, %swap3A_63], %swap3A_66 {strides = array<i32>} : memref<16x16x4096xf32, #tpu.memory_space<vmem>>, vector<1x16x4096xf32>,
    %slice3A_67 = vector.extract_strided_slice %mul3A_33 {offsets = [0, 5], sizes = [16, 4096], strides = [1, 1]} : vector<16x4224xf32> to vector<16x4096xf32>
    %swap3A_68 = arith.constant 5 : index
    %swap3A_69 = arith.constant 0 : index
    %swap3A_70 = arith.constant 0 : index
    %swap3A_71 = vector.load %arg1[%swap3A_68, %swap3A_69, %swap3A_70] : memref<16x16x4096xf32, #tpu.memory_space<vmem>>, vector<1x16x4096xf32>
    %swap3A_72 = vector.shape_cast %swap3A_71 : vector<1x16x4096xf32> to vector<16x4096xf32>
    %swap3A_73 = vector.shape_cast %slice3A_67 : vector<16x4096xf32> to vector<1x16x4096xf32>
    tpu.vector_store %arg1[%swap3A_68, %swap3A_69, %swap3A_70], %swap3A_73 {strides = array<i32>} : memref<16x16x4096xf32, #tpu.memory_space<vmem>>, vector<1x16x4096xf32>,
    %slice3A_74 = vector.extract_strided_slice %mul3A_33 {offsets = [0, 6], sizes = [16, 4096], strides = [1, 1]} : vector<16x4224xf32> to vector<16x4096xf32>
    %swap3A_75 = arith.constant 6 : index
    %swap3A_76 = arith.constant 0 : index
    %swap3A_77 = arith.constant 0 : index
    %swap3A_78 = vector.load %arg1[%swap3A_75, %swap3A_76, %swap3A_77] : memref<16x16x4096xf32, #tpu.memory_space<vmem>>, vector<1x16x4096xf32>
    %swap3A_79 = vector.shape_cast %swap3A_78 : vector<1x16x4096xf32> to vector<16x4096xf32>
    %swap3A_80 = vector.shape_cast %slice3A_74 : vector<16x4096xf32> to vector<1x16x4096xf32>
    tpu.vector_store %arg1[%swap3A_75, %swap3A_76, %swap3A_77], %swap3A_80 {strides = array<i32>} : memref<16x16x4096xf32, #tpu.memory_space<vmem>>, vector<1x16x4096xf32>,
    %slice3A_81 = vector.extract_strided_slice %mul3A_33 {offsets = [0, 7], sizes = [16, 4096], strides = [1, 1]} : vector<16x4224xf32> to vector<16x4096xf32>
    %swap3A_82 = arith.constant 7 : index
    %swap3A_83 = arith.constant 0 : index
    %swap3A_84 = arith.constant 0 : index
    %swap3A_85 = vector.load %arg1[%swap3A_82, %swap3A_83, %swap3A_84] : memref<16x16x4096xf32, #tpu.memory_space<vmem>>, vector<1x16x4096xf32>
    %swap3A_86 = vector.shape_cast %swap3A_85 : vector<1x16x4096xf32> to vector<16x4096xf32>
    %swap3A_87 = vector.shape_cast %slice3A_81 : vector<16x4096xf32> to vector<1x16x4096xf32>
    tpu.vector_store %arg1[%swap3A_82, %swap3A_83, %swap3A_84], %swap3A_87 {strides = array<i32>} : memref<16x16x4096xf32, #tpu.memory_space<vmem>>, vector<1x16x4096xf32>,
    %slice3A_88 = vector.extract_strided_slice %mul3A_33 {offsets = [0, 8], sizes = [16, 4096], strides = [1, 1]} : vector<16x4224xf32> to vector<16x4096xf32>
    %swap3A_89 = arith.constant 8 : index
    %swap3A_90 = arith.constant 0 : index
    %swap3A_91 = arith.constant 0 : index
    %swap3A_92 = vector.load %arg1[%swap3A_89, %swap3A_90, %swap3A_91] : memref<16x16x4096xf32, #tpu.memory_space<vmem>>, vector<1x16x4096xf32>
    %swap3A_93 = vector.shape_cast %swap3A_92 : vector<1x16x4096xf32> to vector<16x4096xf32>
    %swap3A_94 = vector.shape_cast %slice3A_88 : vector<16x4096xf32> to vector<1x16x4096xf32>
    tpu.vector_store %arg1[%swap3A_89, %swap3A_90, %swap3A_91], %swap3A_94 {strides = array<i32>} : memref<16x16x4096xf32, #tpu.memory_space<vmem>>, vector<1x16x4096xf32>,
    %slice3A_95 = vector.extract_strided_slice %mul3A_33 {offsets = [0, 9], sizes = [16, 4096], strides = [1, 1]} : vector<16x4224xf32> to vector<16x4096xf32>
    %swap3A_96 = arith.constant 9 : index
    %swap3A_97 = arith.constant 0 : index
    %swap3A_98 = arith.constant 0 : index
    %swap3A_99 = vector.load %arg1[%swap3A_96, %swap3A_97, %swap3A_98] : memref<16x16x4096xf32, #tpu.memory_space<vmem>>, vector<1x16x4096xf32>
    %swap3A_100 = vector.shape_cast %swap3A_99 : vector<1x16x4096xf32> to vector<16x4096xf32>
    %swap3A_101 = vector.shape_cast %slice3A_95 : vector<16x4096xf32> to vector<1x16x4096xf32>
    tpu.vector_store %arg1[%swap3A_96, %swap3A_97, %swap3A_98], %swap3A_101 {strides = array<i32>} : memref<16x16x4096xf32, #tpu.memory_space<vmem>>, vector<1x16x4096xf32>,
    %slice3A_102 = vector.extract_strided_slice %mul3A_33 {offsets = [0, 10], sizes = [16, 4096], strides = [1, 1]} : vector<16x4224xf32> to vector<16x4096xf32>
    %swap3A_103 = arith.constant 10 : index
    %swap3A_104 = arith.constant 0 : index
    %swap3A_105 = arith.constant 0 : index
    %swap3A_106 = vector.load %arg1[%swap3A_103, %swap3A_104, %swap3A_105] : memref<16x16x4096xf32, #tpu.memory_space<vmem>>, vector<1x16x4096xf32>
    %swap3A_107 = vector.shape_cast %swap3A_106 : vector<1x16x4096xf32> to vector<16x4096xf32>
    %swap3A_108 = vector.shape_cast %slice3A_102 : vector<16x4096xf32> to vector<1x16x4096xf32>
    tpu.vector_store %arg1[%swap3A_103, %swap3A_104, %swap3A_105], %swap3A_108 {strides = array<i32>} : memref<16x16x4096xf32, #tpu.memory_space<vmem>>, vector<1x16x4096xf32>,
    %slice3A_109 = vector.extract_strided_slice %mul3A_33 {offsets = [0, 11], sizes = [16, 4096], strides = [1, 1]} : vector<16x4224xf32> to vector<16x4096xf32>
    %swap3A_110 = arith.constant 11 : index
    %swap3A_111 = arith.constant 0 : index
    %swap3A_112 = arith.constant 0 : index
    %swap3A_113 = vector.load %arg1[%swap3A_110, %swap3A_111, %swap3A_112] : memref<16x16x4096xf32, #tpu.memory_space<vmem>>, vector<1x16x4096xf32>
    %swap3A_114 = vector.shape_cast %swap3A_113 : vector<1x16x4096xf32> to vector<16x4096xf32>
    %swap3A_115 = vector.shape_cast %slice3A_109 : vector<16x4096xf32> to vector<1x16x4096xf32>
    tpu.vector_store %arg1[%swap3A_110, %swap3A_111, %swap3A_112], %swap3A_115 {strides = array<i32>} : memref<16x16x4096xf32, #tpu.memory_space<vmem>>, vector<1x16x4096xf32>,
    %slice3A_116 = vector.extract_strided_slice %mul3A_33 {offsets = [0, 12], sizes = [16, 4096], strides = [1, 1]} : vector<16x4224xf32> to vector<16x4096xf32>
    %swap3A_117 = arith.constant 12 : index
    %swap3A_118 = arith.constant 0 : index
    %swap3A_119 = arith.constant 0 : index
    %swap3A_120 = vector.load %arg1[%swap3A_117, %swap3A_118, %swap3A_119] : memref<16x16x4096xf32, #tpu.memory_space<vmem>>, vector<1x16x4096xf32>
    %swap3A_121 = vector.shape_cast %swap3A_120 : vector<1x16x4096xf32> to vector<16x4096xf32>
    %swap3A_122 = vector.shape_cast %slice3A_116 : vector<16x4096xf32> to vector<1x16x4096xf32>
    tpu.vector_store %arg1[%swap3A_117, %swap3A_118, %swap3A_119], %swap3A_122 {strides = array<i32>} : memref<16x16x4096xf32, #tpu.memory_space<vmem>>, vector<1x16x4096xf32>,
    %slice3A_123 = vector.extract_strided_slice %mul3A_33 {offsets = [0, 13], sizes = [16, 4096], strides = [1, 1]} : vector<16x4224xf32> to vector<16x4096xf32>
    %swap3A_124 = arith.constant 13 : index
    %swap3A_125 = arith.constant 0 : index
    %swap3A_126 = arith.constant 0 : index
    %swap3A_127 = vector.load %arg1[%swap3A_124, %swap3A_125, %swap3A_126] : memref<16x16x4096xf32, #tpu.memory_space<vmem>>, vector<1x16x4096xf32>
    %swap3A_128 = vector.shape_cast %swap3A_127 : vector<1x16x4096xf32> to vector<16x4096xf32>
    %swap3A_129 = vector.shape_cast %slice3A_123 : vector<16x4096xf32> to vector<1x16x4096xf32>
    tpu.vector_store %arg1[%swap3A_124, %swap3A_125, %swap3A_126], %swap3A_129 {strides = array<i32>} : memref<16x16x4096xf32, #tpu.memory_space<vmem>>, vector<1x16x4096xf32>,
    %slice3A_130 = vector.extract_strided_slice %mul3A_33 {offsets = [0, 14], sizes = [16, 4096], strides = [1, 1]} : vector<16x4224xf32> to vector<16x4096xf32>
    %swap3A_131 = arith.constant 14 : index
    %swap3A_132 = arith.constant 0 : index
    %swap3A_133 = arith.constant 0 : index
    %swap3A_134 = vector.load %arg1[%swap3A_131, %swap3A_132, %swap3A_133] : memref<16x16x4096xf32, #tpu.memory_space<vmem>>, vector<1x16x4096xf32>
    %swap3A_135 = vector.shape_cast %swap3A_134 : vector<1x16x4096xf32> to vector<16x4096xf32>
    %swap3A_136 = vector.shape_cast %slice3A_130 : vector<16x4096xf32> to vector<1x16x4096xf32>
    tpu.vector_store %arg1[%swap3A_131, %swap3A_132, %swap3A_133], %swap3A_136 {strides = array<i32>} : memref<16x16x4096xf32, #tpu.memory_space<vmem>>, vector<1x16x4096xf32>,
    %slice3A_137 = vector.extract_strided_slice %mul3A_33 {offsets = [0, 15], sizes = [16, 4096], strides = [1, 1]} : vector<16x4224xf32> to vector<16x4096xf32>
    %swap3A_138 = arith.constant 15 : index
    %swap3A_139 = arith.constant 0 : index
    %swap3A_140 = arith.constant 0 : index
    %swap3A_141 = vector.load %arg1[%swap3A_138, %swap3A_139, %swap3A_140] : memref<16x16x4096xf32, #tpu.memory_space<vmem>>, vector<1x16x4096xf32>
    %swap3A_142 = vector.shape_cast %swap3A_141 : vector<1x16x4096xf32> to vector<16x4096xf32>
    %swap3A_143 = vector.shape_cast %slice3A_137 : vector<16x4096xf32> to vector<1x16x4096xf32>
    tpu.vector_store %arg1[%swap3A_138, %swap3A_139, %swap3A_140], %swap3A_143 {strides = array<i32>} : memref<16x16x4096xf32, #tpu.memory_space<vmem>>, vector<1x16x4096xf32>,
    return
  }
}

</mosaic_0001>

<sc_bundles>
// kernel: kernel.4.cloned.1.call-start
scs
__scs_entry_jumppad:
0x0: {  	(pc) =	sbr.rel $0x88, $3  }
0x1: {  	(tag) =	ssettag $0x0;
	lr =	simm.s32 $0x1  }
0x2: {  	[smem:$0x3FA0] =	sst lr;
	_ =	strace $0xD0000000  }
0x3: {  	_ = 	snop  }
0x4: {  	_ = 	snop  }
0x5: {  	_ = 	snop  }
0x6: {  	_ = 	snop  }
0x7: {  	_ = 	snop  }
__scs_overlays_trampoline_lowered:
0x8: {  	[smem:$0x3FAF] =	sst s0  }
0x9: {  	[smem:$0x3FB0] =	sst s1  }
0xa: {  	[smem:$0x3FB1] =	sst s2  }
0xb: {  	[smem:$0x3FB2] =	sst s3  }
0xc: {  	[smem:$0x3FB3] =	sst s4  }
0xd: {  	[smem:$0x3FB4] =	sst s5  }
0xe: {  	[smem:$0x3FB5] =	sst s6  }
0xf: {  	[smem:$0x3FB6] =	sst s7  }
0x10: {  	[smem:$0x3FB7] =	sst s8  }
0x11: {  	[smem:$0x3FB8] =	sst s9;
	s0 =	simm.s32 @!p0 $0x0  }
0x12: {  	s1 =	sld [smem:$0x3F9E];
	s0 =	simm.s32 @p0 $0x1  }
0x13: {  	[smem:$0x3FB9] =	sst s0;
	s0 =	simm.s32 @!p1 $0x0  }
0x14: {  	s2 =	sld [smem:$0x3F9D];
	s0 =	simm.s32 @p1 $0x1  }
0x15: {  	[smem:$0x3FBA] =	sst s0;
	s0 =	simm.s32 @!p2 $0x0  }
0x16: {  	s3 =	sld [smem:$0x3FDB];
	s0 =	simm.s32 @p2 $0x1  }
0x17: {  	s4 =	simm.s32 $0x1BF5;
	[smem:$0x3FBC] =	sst s0  }
0x18: {  	s0 =	sld [smem:$0x3F9F];
	_ =	swait.ge [sflag:s4], $0x0  }
0x19: {  	s7 =	sld [smem:$0x3FA0]  }
0x1a: {  	s8 =	sadd.s32 $0xFFFFE003, lr  }
0x1b: {  	s9 =	sadd.s32 $0xFFFFFEF7, lr;
	s5 =	simm.s32 $0xFFFFFFFF;
	p2 =	slt.u32 s8, $0xFFFFF086  }
0x1c: {  	p1 =	slt.u32 s9, $0xF7A;
	s5 =	simm.s32 @!p2 $0x0  }
0x1d: {  	s5 =	simm.s32 @p1 $0x1;
	p0 =	seq.s32 s7, s2  }
0x1e: {  	s7 =	smul.u32 @!p0 $0xF7A, s2;
	p2 =	seq.s32 @!p0 s5, $0x0  }
0x1f: {  	s9 =	smul.u32 $0xF7A, s1;
	s8 =	simm.s32 @!p0 $0x1BF5;
	p2 =	por !p2, p0  }
0x20: {  	[sflag:s8] =	ssyncset.s32 @!p0 $0xFFFFF086;
	s6 =	sadd.s32 @!p0 s3, s7;
	s7 =	simm.s32 @!p0 $0x108  }
0x21: {  	s3 =	sadd.s32 s3, s9;
	s6 =	sadd.s32 @!p0 $0x88, s6;
	s7 =	simm.s32 @p2 $0x1082  }
0x22: {  	[simem:s7], [sflag:s8] =	dma.local @!p0 [hbm:s6], $0xF7A  }
0x23: {  	s9 =	sor.u32 $0xD0000000, s2;
	s6 =	simm.s32 $0x108;
	_ =	swait.ge @!p0 [sflag:s8], $0x0  }
0x24: {  	s3 =	sadd.s32 $0x88, s3;
	s6 =	simm.s32 @!p1 $0x1082;
	[sflag:s4] =	ssyncset.s32 $0xFFFFF086  }
0x25: {  	[simem:s6], [sflag:s4] =	dma.local [hbm:s3], $0xF7A  }
0x26: {  	[smem:$0x3FA0] =	sst s1;
	(tag) =	ssettag s2;
	_ =	strace s9  }
0x27: {  	s1 =	sld [smem:$0x3FB0]  }
0x28: {  	s2 =	sld [smem:$0x3FB1]  }
0x29: {  	s4 =	sld [smem:$0x3FB3]  }
0x2a: {  	p0 =	seq.s32 s5, $0x0;
	s5 =	sld [smem:$0x3FB4]  }
0x2b: {  	s6 =	sld [smem:$0x3FB5]  }
0x2c: {  	s7 =	sld [smem:$0x3FB6]  }
0x2d: {  	s3 =	simm.s32 $0x108;
	s8 =	sld [smem:$0x3FB7]  }
0x2e: {  	s3 =	simm.s32 @!p0 $0x1082;
	s9 =	sld [smem:$0x3FB8]  }
0x2f: {  	lr =	sadd.s32 s0, s3;
	s0 =	sld [smem:$0x3FAF]  }
0x30: {  	s3 =	sld [smem:$0x3FB2]  }
0x31: {  	[smem:$0x3FBB] =	sst s10  }
0x32: {  	s10 =	sld [smem:$0x3FB9];
	_ =	sdelay $0x3  }
0x33: {  	p0 =	seq.s32 s10, $0x1;
	s10 =	sld [smem:$0x3FBB];
	_ =	sdelay $0x3  }
0x34: {  	[smem:$0x3FBB] =	sst s10  }
0x35: {  	s10 =	sld [smem:$0x3FBA];
	_ =	sdelay $0x3  }
0x36: {  	p1 =	seq.s32 s10, $0x1;
	s10 =	sld [smem:$0x3FBB];
	_ =	sdelay $0x3  }
0x37: {  	[smem:$0x3FBB] =	sst s10  }
0x38: {  	s10 =	sld [smem:$0x3FBC]  }
0x39: {  	_ = 	snop;
	(pc) =	sbr.ind lr, $3  }
0x3a: {  	_ = 	snop  }
0x3b: {  	_ = 	snop  }
0x3c: {  	p2 =	seq.s32 s10, $0x1;
	s10 =	sld [smem:$0x3FBB]  }
0x3d: {  	_ =	shalt  }
0x3e: {  	_ =	shalt  }
0x3f: {  	_ =	shalt  }
0x40: {  	_ =	shalt  }
0x41: {  	_ =	shalt  }
0x42: {  	_ =	shalt  }
0x43: {  	_ =	shalt  }
0x44: {  	_ =	shalt  }
0x45: {  	_ =	shalt  }
0x46: {  	_ =	shalt  }
0x47: {  	_ =	shalt  }
0x48: {  	_ =	shalt  }
0x49: {  	_ =	shalt  }
0x4a: {  	_ =	shalt  }
0x4b: {  	_ =	shalt  }
0x4c: {  	_ =	shalt  }
0x4d: {  	_ =	shalt  }
0x4e: {  	_ =	shalt  }
0x4f: {  	_ =	shalt  }
0x50: {  	_ =	shalt  }
0x51: {  	_ =	shalt  }
0x52: {  	_ =	shalt  }
0x53: {  	_ =	shalt  }
0x54: {  	_ =	shalt  }
0x55: {  	_ =	shalt  }
0x56: {  	_ =	shalt  }
0x57: {  	_ =	shalt  }
0x58: {  	_ =	shalt  }
0x59: {  	_ =	shalt  }
0x5a: {  	_ =	shalt  }
0x5b: {  	_ =	shalt  }
0x5c: {  	_ =	shalt  }
0x5d: {  	_ =	shalt  }
0x5e: {  	_ =	shalt  }
0x5f: {  	_ =	shalt  }
0x60: {  	_ =	shalt  }
0x61: {  	_ =	shalt  }
0x62: {  	_ =	shalt  }
0x63: {  	_ =	shalt  }
0x64: {  	_ =	shalt  }
0x65: {  	_ =	shalt  }
0x66: {  	_ =	shalt  }
0x67: {  	_ =	shalt  }
0x68: {  	_ =	shalt  }
0x69: {  	_ =	shalt  }
0x6a: {  	_ =	shalt  }
0x6b: {  	_ =	shalt  }
0x6c: {  	_ =	shalt  }
0x6d: {  	_ =	shalt  }
0x6e: {  	_ =	shalt  }
0x6f: {  	_ =	shalt  }
0x70: {  	_ =	shalt  }
0x71: {  	_ =	shalt  }
0x72: {  	_ =	shalt  }
0x73: {  	_ =	shalt  }
0x74: {  	_ =	shalt  }
0x75: {  	_ =	shalt  }
0x76: {  	_ =	shalt  }
0x77: {  	_ =	shalt  }
0x78: {  	_ =	shalt  }
0x79: {  	_ =	shalt  }
0x7a: {  	_ =	shalt  }
0x7b: {  	_ =	shalt  }
0x7c: {  	_ =	shalt  }
0x7d: {  	_ =	shalt  }
0x7e: {  	_ =	shalt  }
0x7f: {  	_ =	shalt  }
0x80: {  	_ =	shalt  }
0x81: {  	_ =	shalt  }
0x82: {  	_ =	shalt  }
0x83: {  	_ =	shalt  }
0x84: {  	_ =	shalt  }
0x85: {  	_ =	shalt  }
0x86: {  	_ =	shalt  }
0x87: {  	_ =	shalt  }
.Lfunc_end0:
.L_simem_size_0:
called_computation_lowered:
.L_overlay_start_0:
0x88: {  	s2 =	sld [smem:$0x3FD9]  }
0x89: {  	s3 =	sld [smem:$0x3FFE];
	_ =	sdelay $0x1  }
0x8a: {  	s1 =	srdreg.scid  }
0x8b: {  	s0 =	sand.u32 $0x1, s1  }
0x8c: {  	s17 =	sshll.u32 s0, $0xA;
	s2 =	sadd.s32 s3, s2  }
0x8d: {  	s2 =	sadd.s32 s2, s17  }
0x8e: {  	[smem:$0x3FC7] =	sst s2  }
0x8f: {  	_ = 	snop  }
0x90: {  	s2 =	sld [smem:$0x3FD0];
	(tm) =	ssettm $0x1  }
0x91: {  	s18 =	sld [smem:$0x3FFB];
	_ =	sdelay $0x3  }
0x92: {  	_ =	strace s18  }
0x93: {  	s3 =	sld [smem:$0x3FFC];
	_ =	sdelay $0x3  }
0x94: {  	_ =	strace s3  }
0x95: {  	s3 =	sld [smem:$0x3FFD];
	_ =	sdelay $0x3  }
0x96: {  	_ =	strace s3  }
0x97: {  	_ =	strace $0x8FFFFFFF  }
0x98: {  	s19 =	sld [smem:$0x3FDB];
	_ =	sdelay $0x1  }
0x99: {  	s4 =	simm.s32 $_scs_section_size  }
0x9a: {  	s5 =	simm.s32 $_size__tile_overlayer_lowered;
	s6 =	simm.s32 $_tile_overlayer_lowered  }
0x9b: {  	s22 =	simm.s32 $0x1BFF;
	s21 =	sshll.u32 s6, $0x1;
	s3 =	sadd.s32 s4, s19  }
0x9c: {  	s7 =	simm.s32 $0x0;
	s20 =	sshll.u32 s5, $0x1;
	s5 =	sadd.s32 s21, s3  }
0x9d: {  	[timem:s7], [sflag:s22] =	dma.local [hbm:s5], s20  }
0x9e: {  	_ =	swait.ge [sflag:s22], s20  }
0x9f: {  	s4 =	ssub.s32 $0x0, s20;
	[sflag:s22] =	ssyncset.done $0x0  }
0xa0: {  	[sflag:s22] =	ssyncadd.s32 s4;
	_ =	sdelay $0x1  }
0xa1: {  	s23 =	simm.s32 $0x1B8B  }
0xa2: {  	_ =	swait.ge [sflag:s23], $0x1  }
0xa3: {  	[sflag:s23] =	ssyncset.done $0x0  }
0xa4: {  	s25 =	simm.s32 $0x1B8E;
	s24 =	sld [smem:$0x3FFE];
	[sflag:s23] =	ssyncadd.s32 $0xFFFFFFFF  }
0xa5: {  	s26 =	simm.s32 $execute0_lowered;
	[smem:$0x3FD2] =	sst s25  }
0xa6: {  	s5 =	sshll.u32 s26, $0x1;
	_ =	strace $0x80000046;
	[dreg:$0x1] =	wrdreg $0xFFFFFFFF  }
0xa7: {  	s28 =	simm.s32 $_size_execute0_lowered;
	s3 =	sadd.s32 s3, s5;
	[dreg:$0x0] =	wrdreg $0x0  }
0xa8: {  	s5 =	sshll.u32 s28, $0x1;
	[dreg:$0x2] =	wrdreg s3  }
0xa9: {  	[dreg:$0x3] =	wrdreg s5  }
0xaa: {  	[dreg:$0x4] =	wrdreg $0xC0  }
0xab: {  	_ =	task [dreg:s7], $0x5FFFF  }
0xac: {  	[dreg:$0x1] =	wrdreg $0xFFFFFFFF  }
0xad: {  	[dreg:$0x0] =	wrdreg $0x60  }
0xae: {  	[dreg:$0x2] =	wrdreg s24  }
0xaf: {  	[dreg:$0x3] =	wrdreg s2  }
0xb0: {  	[dreg:$0x4] =	wrdreg $0x9  }
0xb1: {  	_ =	task.clear_ibuf [dreg:s7], $0x5FFFF;
	_ =	strace $0x90000046  }
0xb2: {  	s29 =	simm.s32 $0x9;
	_ =	strace $0x80000048  }
0xb3: {  	_ =	swait.ge [sflag:s29], $0x1  }
0xb4: {  	[sflag:s29] =	ssyncadd.s32 $0xFFFFFFFF  }
0xb5: {  	_ =	strace $0x90000048  }
0xb6: {  	_ =	sfence  }
0xb7: {  	s30 =	sld [smem:$0x0];
	_ =	sdelay $0x2  }
0xb8: {  	s31 =	sshll.u32 s1, $0xD;
	s1 =	sshrl.u32 s1, $0x2  }
0xb9: {  	s3 =	sand.u32 $0x4000, s31;
	s1 =	sadd.s32 s1, s30  }
0xba: {  	s0 =	sor.u32 s3, s0;
	s1 =	sshll.u32 s1, $0x11  }
0xbb: {  	s0 =	sor.u32 s1, s0  }
0xbc: {  	s0 =	sadd.s32 $0x8F2B, s0  }
0xbd: {  	[sflag:s0] =	ssyncadd.remote.s32 $0x1  }
0xbe: {  	_ =	sfence.sel $0xFFFF  }
0xbf: {  	[dreg:$0x0] =	wrdreg $0xFFFFFFFF;
	(pc) =	sbr.abs _section_cstart, $3  }
0xc0: {  	[dreg:$0x1] =	wrdreg $0xFFFFFFFF  }
0xc1: {  	_ =	task.clear_ibuf [dreg:s7], $0x2FFFF;
	_ =	strace $0x9FFFFFFF  }
0xc2: {  	(tm) =	ssettm $0x7FFFFFFF  }
0xc3: {  	_ =	shalt  }
tec
execute0_lowered:
.L_overlay_start_1:
0x0: {  	(tag) =	ssettag $0x1  }
0x1: {  	s0 =	rddreg [dreg:$0x0]  }
0x2: {  	s1 =	rddreg [dreg:$0x1];
	s3 =	srdreg.scid;
	s2 =	simm.s32 $0x0  }
0x3: {  	s6 =	stileid.u32;
	s3 =	sand.u32 $0x1, s3;
	[smem:$0x7FF] =	sst s2  }
0x4: {  	s4 =	sshll.u32 s6, $0x9;
	s30 =	sshll.u32 s6, $0x13;
	s5 =	ssub.s32 $0x2, s3  }
0x5: {  	_ =	strace $0x80000047;
	s0 =	sadd.s32 s4, s0;
	s19 =	sshll.u32 s3, $0xA  }
0x6: {  	s20 =	sadd.s32 s1, s30;
	s31 =	sshll.u32 s3, $0x16;
	s1 =	simm.s32 $0x1  }
0x7: {  	s23 =	sshrl.u32 s5, $0x1;
	s24 =	sadd.s32 $0x600, s0;
	s25 =	sadd.s32 $0x2600, s0  }
0x8: {  	s26 =	sadd.s32 $0x4600, s0;
	s29 =	sadd.s32 $0x6600, s0;
	s7 =	sadd.s32 $0x8600, s0  }
0x9: {  	s8 =	sadd.s32 $0xA600, s0;
	s9 =	sadd.s32 $0xC600, s0;
	s10 =	sadd.s32 $0xE600, s0  }
0xa: {  	s11 =	sadd.s32 $0x10600, s0;
	s12 =	sadd.s32 $0x12600, s0;
	s13 =	sadd.s32 $0x14600, s0  }
0xb: {  	s14 =	sadd.s32 $0x16600, s0;
	s15 =	sadd.s32 $0x18600, s0;
	[dreg:$0x3] =	wrdreg s24  }
0xc: {  	s16 =	sadd.s32 $0x1A600, s0;
	s17 =	sadd.s32 $0x1C600, s0;
	[dreg:$0x4] =	wrdreg s25  }
0xd: {  	s18 =	sadd.s32 $0x1E600, s0;
	s28 =	sxor.u32 $0x7F8000, s31;
	[dreg:$0x5] =	wrdreg s26  }
0xe: {  	s4 =	ssub.s32 s5, s23;
	[dreg:$0x6] =	wrdreg s29;
	s26 =	sxor.u32 $0x7F8, s19  }
0xf: {  	s24 =	simm.s32 $0x2;
	s25 =	simm.s32 $0x0;
	s21 =	smax.u32 s4, $0x1  }
.LBB2_1:
0x10: {  	s0 =	rddreg [dreg:$0x3]  }
0x11: {  	[tilespmem:s2], [sflag:$0x2] =	stream.linear.gather [hbm4b:s0+s2], $0x1000, $0x38;
	[tilespmem:$0x18000] =	vst v63  }
0x12: {  	_ =	swait.ge [sflag:s24], $0x1000  }
0x13: {  	[sflag:s24] =	ssyncset.done $0x0  }
0x14: {  	s3 =	simm.s32 $0x1000;
	s31 =	rddreg [dreg:$0x4];
	[sflag:s24] =	ssyncadd.s32 $0xFFFFF000  }
0x15: {  	[tilespmem:s3], [sflag:$0x2] =	stream.linear.gather [hbm4b:s31+s2], $0x1000, $0x38;
	[tilespmem:$0x18000] =	vst v63  }
0x16: {  	_ =	swait.ge [sflag:s24], $0x1000  }
0x17: {  	[sflag:s24] =	ssyncset.done $0x0  }
0x18: {  	s4 =	simm.s32 $0x2000;
	s3 =	rddreg [dreg:$0x5];
	[sflag:s24] =	ssyncadd.s32 $0xFFFFF000  }
0x19: {  	[tilespmem:s4], [sflag:$0x2] =	stream.linear.gather [hbm4b:s3+s2], $0x1000, $0x38;
	[tilespmem:$0x18000] =	vst v63  }
0x1a: {  	_ =	swait.ge [sflag:s24], $0x1000  }
0x1b: {  	[sflag:s24] =	ssyncset.done $0x0  }
0x1c: {  	s6 =	simm.s32 $0x3000;
	s5 =	rddreg [dreg:$0x6];
	[sflag:s24] =	ssyncadd.s32 $0xFFFFF000  }
0x1d: {  	[tilespmem:s6], [sflag:$0x2] =	stream.linear.gather [hbm4b:s5+s2], $0x1000, $0x38;
	[tilespmem:$0x18000] =	vst v63  }
0x1e: {  	_ =	swait.ge [sflag:s24], $0x1000  }
0x1f: {  	[sflag:s24] =	ssyncset.done $0x0  }
0x20: {  	s22 =	simm.s32 $0x4000;
	[sflag:s24] =	ssyncadd.s32 $0xFFFFF000  }
0x21: {  	[tilespmem:s22], [sflag:$0x2] =	stream.linear.gather [hbm4b:s7+s2], $0x1000, $0x38;
	[tilespmem:$0x18000] =	vst v63  }
0x22: {  	_ =	swait.ge [sflag:s24], $0x1000  }
0x23: {  	[sflag:s24] =	ssyncset.done $0x0  }
0x24: {  	s23 =	simm.s32 $0x5000;
	[sflag:s24] =	ssyncadd.s32 $0xFFFFF000  }
0x25: {  	[tilespmem:s23], [sflag:$0x2] =	stream.linear.gather [hbm4b:s8+s2], $0x1000, $0x38;
	[tilespmem:$0x18000] =	vst v63  }
0x26: {  	_ =	swait.ge [sflag:s24], $0x1000  }
0x27: {  	[sflag:s24] =	ssyncset.done $0x0  }
0x28: {  	s30 =	simm.s32 $0x6000;
	[sflag:s24] =	ssyncadd.s32 $0xFFFFF000  }
0x29: {  	[tilespmem:s30], [sflag:$0x2] =	stream.linear.gather [hbm4b:s9+s2], $0x1000, $0x38;
	[tilespmem:$0x18000] =	vst v63  }
0x2a: {  	_ =	swait.ge [sflag:s24], $0x1000  }
0x2b: {  	[sflag:s24] =	ssyncset.done $0x0  }
0x2c: {  	s31 =	simm.s32 $0x7000;
	[sflag:s24] =	ssyncadd.s32 $0xFFFFF000  }
0x2d: {  	[tilespmem:s31], [sflag:$0x2] =	stream.linear.gather [hbm4b:s10+s2], $0x1000, $0x38;
	[tilespmem:$0x18000] =	vst v63  }
0x2e: {  	_ =	swait.ge [sflag:s24], $0x1000  }
0x2f: {  	[sflag:s24] =	ssyncset.done $0x0  }
0x30: {  	s3 =	simm.s32 $0x8000;
	[sflag:s24] =	ssyncadd.s32 $0xFFFFF000  }
0x31: {  	[tilespmem:s3], [sflag:$0x2] =	stream.linear.gather [hbm4b:s11+s2], $0x1000, $0x38;
	[tilespmem:$0x18000] =	vst v63  }
0x32: {  	_ =	swait.ge [sflag:s24], $0x1000  }
0x33: {  	[sflag:s24] =	ssyncset.done $0x0  }
0x34: {  	s4 =	simm.s32 $0x9000;
	[sflag:s24] =	ssyncadd.s32 $0xFFFFF000  }
0x35: {  	[tilespmem:s4], [sflag:$0x2] =	stream.linear.gather [hbm4b:s12+s2], $0x1000, $0x38;
	[tilespmem:$0x18000] =	vst v63  }
0x36: {  	_ =	swait.ge [sflag:s24], $0x1000  }
0x37: {  	[sflag:s24] =	ssyncset.done $0x0  }
0x38: {  	s5 =	simm.s32 $0xA000;
	[sflag:s24] =	ssyncadd.s32 $0xFFFFF000  }
0x39: {  	[tilespmem:s5], [sflag:$0x2] =	stream.linear.gather [hbm4b:s13+s2], $0x1000, $0x38;
	[tilespmem:$0x18000] =	vst v63  }
0x3a: {  	_ =	swait.ge [sflag:s24], $0x1000  }
0x3b: {  	[sflag:s24] =	ssyncset.done $0x0  }
0x3c: {  	s6 =	simm.s32 $0xB000;
	[sflag:s24] =	ssyncadd.s32 $0xFFFFF000  }
0x3d: {  	[tilespmem:s6], [sflag:$0x2] =	stream.linear.gather [hbm4b:s14+s2], $0x1000, $0x38;
	[tilespmem:$0x18000] =	vst v63  }
0x3e: {  	_ =	swait.ge [sflag:s24], $0x1000  }
0x3f: {  	[sflag:s24] =	ssyncset.done $0x0  }
0x40: {  	s22 =	simm.s32 $0xC000;
	[sflag:s24] =	ssyncadd.s32 $0xFFFFF000  }
0x41: {  	[tilespmem:s22], [sflag:$0x2] =	stream.linear.gather [hbm4b:s15+s2], $0x1000, $0x38;
	[tilespmem:$0x18000] =	vst v63  }
0x42: {  	_ =	swait.ge [sflag:s24], $0x1000  }
0x43: {  	[sflag:s24] =	ssyncset.done $0x0  }
0x44: {  	s23 =	simm.s32 $0xD000;
	[sflag:s24] =	ssyncadd.s32 $0xFFFFF000  }
0x45: {  	[tilespmem:s23], [sflag:$0x2] =	stream.linear.gather [hbm4b:s16+s2], $0x1000, $0x38;
	[tilespmem:$0x18000] =	vst v63  }
0x46: {  	_ =	swait.ge [sflag:s24], $0x1000  }
0x47: {  	[sflag:s24] =	ssyncset.done $0x0  }
0x48: {  	s30 =	simm.s32 $0xE000;
	[sflag:s24] =	ssyncadd.s32 $0xFFFFF000  }
0x49: {  	[tilespmem:s30], [sflag:$0x2] =	stream.linear.gather [hbm4b:s17+s2], $0x1000, $0x38;
	[tilespmem:$0x18000] =	vst v63  }
0x4a: {  	_ =	swait.ge [sflag:s24], $0x1000  }
0x4b: {  	[sflag:s24] =	ssyncset.done $0x0  }
0x4c: {  	s31 =	simm.s32 $0xF000;
	[sflag:s24] =	ssyncadd.s32 $0xFFFFF000  }
0x4d: {  	[tilespmem:s31], [sflag:$0x2] =	stream.linear.gather [hbm4b:s18+s2], $0x1000, $0x38;
	[tilespmem:$0x18000] =	vst v63  }
0x4e: {  	_ =	swait.ge [sflag:s24], $0x1000  }
0x4f: {  	p0 =	por $0x0, $0x0;
	s29 =	simm.s32 $0x0;
	[sflag:s24] =	ssyncset.done $0x0  }
0x50: {  	s22 =	smov.u32 s28;
	s23 =	smov.u32 s26;
	[sflag:s24] =	ssyncadd.s32 $0xFFFFF000  }
.LBB2_2:
0x51: {  	s0 =	sshrl.u32 s22, $0xF  }
0x52: {  	s3 =	sshll.u32 s23, $0x2;
	s0 =	sand.u32 $0x1, s0  }
0x53: {  	s30 =	sand.u32 $0xFFFFFFC0, s3;
	s4 =	sshll.u32 s0, $0x11  }
0x54: {  	s4 =	sadd.s32 s30, s4  }
0x55: {  	s4 =	sshra.s32 s4, $0x2  }
0x56: {  	p1 =	slt.u32 s29, $0x2;
	s5 =	sand.u32 $0x3FFFFFF0, s23;
	s0 =	sshll.u32 s0, $0xF;
	v0 =	vmov s4  }
0x57: {  	s30 =	simm.s32 @!p1 $0x1;
	s0 =	sadd.s32 s5, s0  }
0x58: {  	_ =	swait.ge @!p1 [sflag:s30], $0x4000;
	s0 =	sshll.u32 s0, $0x2  }
0x59: {  	s3 =	sand.u32 $0x1C0, s3;
	[sflag:s30] =	ssyncset.done @!p1 $0x0;
	s31 =	sadd.s32 $0x1C000, s0  }
0x5a: {  	s4 =	simm.s32 $0x0;
	[sflag:s30] =	ssyncadd.s32 @!p1 $0xFFFFC000;
	s31 =	sand.u32 $0xFFFFFE00, s31  }
0x5b: {  	s3 =	sor.u32 s3, s31;
	v6 =	vld.idx.msk [tilespmem:v0+s4+$0x7070 ss:$0x1], $0xffff  }
0x5c: {  	s30 =	sadd.s32 $0x1C1C0, s0;
	s3 =	sshra.s32 s3, $0x2;
	v7 =	vld.idx.msk [tilespmem:v0+s4+$0x7010 ss:$0x1], $0xffff  }
0x5d: {  	s5 =	sadd.s32 $0x1C040, s0;
	s30 =	sshra.s32 s30, $0x2;
	s31 =	simm.s32 $0x1;
	v2 =	vmov s3;
	v8 =	vld.idx.msk [tilespmem:v0+s4+$0x7020 ss:$0x1], $0xffff  }
0x5e: {  	s5 =	sshra.s32 s5, $0x2;
	v1 =	vmov s30;
	s31 =	simm.s32 @!p0 $0x0;
	s30 =	sadd.s32 $0x1C080, s0;
	v9 =	vld.idx.msk [tilespmem:v0+s4+$0x7030 ss:$0x1], $0xffff  }
0x5f: {  	v3 =	vmov s5;
	s3 =	sshll.u32 s31, $0xE;
	s31 =	sadd.s32 $0x1C0C0, s0;
	s6 =	sshra.s32 s30, $0x2;
	v10 =	vld.idx.msk [tilespmem:v0+s4+$0x7040 ss:$0x1], $0xffff  }
0x60: {  	s30 =	sor.u32 $0x10200, s3;
	s3 =	sadd.s32 $0x1C100, s0;
	s5 =	sshra.s32 s31, $0x2;
	v4 =	vmov s6;
	v11 =	vld.idx.msk [tilespmem:v0+s4+$0x7050 ss:$0x1], $0xffff  }
0x61: {  	s6 =	sadd.s32 $0x1C140, s0;
	v12 =	vld.idx.msk [tilespmem:v0+s4+$0x7060 ss:$0x1], $0xffff;
	s3 =	sshra.s32 s3, $0x2;
	v5 =	vmov s5;
	[tilespmem:s30+$0xFFFFFE70] =	vst v6  }
0x62: {  	s6 =	sshra.s32 s6, $0x2;
	v14 =	vld.idx.msk [tilespmem:v2+s4+$0x0 ss:$0x1], $0xffff;
	v6 =	vmov s3;
	[tilespmem:s30+$0xFFFFFE10] =	vst v7  }
0x63: {  	s0 =	sadd.s32 $0x1C180, s0;
	v7 =	vmov s6;
	[tilespmem:s30+$0xFFFFFE20] =	vst v8;
	v13 =	vld.idx.msk [tilespmem:v1+s4+$0xFFFFF000 ss:$0x1], $0xffff  }
0x64: {  	s0 =	sshra.s32 s0, $0x2;
	[tilespmem:s30+$0xFFFFFE30] =	vst v9;
	v15 =	vld.idx.msk [tilespmem:v3+s4+$0xFFFFF000 ss:$0x1], $0xffff  }
0x65: {  	[tilespmem:s30+$0xFFFFFE40] =	vst v10;
	v8 =	vmov s0;
	v9 =	vld.idx.msk [tilespmem:v4+s4+$0xFFFFF000 ss:$0x1], $0xffff  }
0x66: {  	[tilespmem:s30+$0xFFFFFE50] =	vst v11;
	v10 =	vld.idx.msk [tilespmem:v5+s4+$0xFFFFF000 ss:$0x1], $0xffff  }
0x67: {  	[tilespmem:s30+$0xFFFFFE60] =	vst v12;
	v11 =	vld.idx.msk [tilespmem:v6+s4+$0xFFFFF000 ss:$0x1], $0xffff  }
0x68: {  	[tilespmem:s30+$0xFFFFFE00] =	vst v14;
	v12 =	vld.idx.msk [tilespmem:v7+s4+$0xFFFFF000 ss:$0x1], $0xffff  }
0x69: {  	v14 =	vld.idx.msk [tilespmem:v2+s4+$0xFFFFF000 ss:$0x1], $0xffff;
	[tilespmem:s30+$0xFFFFFEF0] =	vst v13  }
0x6a: {  	[tilespmem:s30+$0xFFFFFEA0] =	vst v9;
	v9 =	vld.idx.msk [tilespmem:v8+s4+$0xFFFFF000 ss:$0x1], $0xffff  }
0x6b: {  	[tilespmem:s30+$0xFFFFFE90] =	vst v15;
	v13 =	vld.idx.msk [tilespmem:v1+s4+$0xFFFFE000 ss:$0x1], $0xffff  }
0x6c: {  	[tilespmem:s30+$0xFFFFFEB0] =	vst v10;
	v15 =	vld.idx.msk [tilespmem:v3+s4+$0xFFFFE000 ss:$0x1], $0xffff  }
0x6d: {  	v10 =	vld.idx.msk [tilespmem:v4+s4+$0xFFFFE000 ss:$0x1], $0xffff;
	[tilespmem:s30+$0xFFFFFEC0] =	vst v11  }
0x6e: {  	v11 =	vld.idx.msk [tilespmem:v5+s4+$0xFFFFE000 ss:$0x1], $0xffff;
	[tilespmem:s30+$0xFFFFFED0] =	vst v12  }
0x6f: {  	[tilespmem:s30+$0xFFFFFE80] =	vst v14;
	v12 =	vld.idx.msk [tilespmem:v6+s4+$0xFFFFE000 ss:$0x1], $0xffff  }
0x70: {  	v14 =	vld.idx.msk [tilespmem:v2+s4+$0xFFFFE000 ss:$0x1], $0xffff;
	[tilespmem:s30+$0xFFFFFEE0] =	vst v9  }
0x71: {  	v9 =	vld.idx.msk [tilespmem:v7+s4+$0xFFFFE000 ss:$0x1], $0xffff;
	[tilespmem:s30+$0xFFFFFF70] =	vst v13  }
0x72: {  	[tilespmem:s30+$0xFFFFFF20] =	vst v10;
	v10 =	vld.idx.msk [tilespmem:v8+s4+$0xFFFFE000 ss:$0x1], $0xffff  }
0x73: {  	[tilespmem:s30+$0xFFFFFF10] =	vst v15;
	v13 =	vld.idx.msk [tilespmem:v1+s4+$0xFFFFD000 ss:$0x1], $0xffff  }
0x74: {  	v15 =	vld.idx.msk [tilespmem:v3+s4+$0xFFFFD000 ss:$0x1], $0xffff;
	[tilespmem:s30+$0xFFFFFF30] =	vst v11  }
0x75: {  	v11 =	vld.idx.msk [tilespmem:v4+s4+$0xFFFFD000 ss:$0x1], $0xffff;
	[tilespmem:s30+$0xFFFFFF40] =	vst v12  }
0x76: {  	v12 =	vld.idx.msk [tilespmem:v5+s4+$0xFFFFD000 ss:$0x1], $0xffff;
	[tilespmem:s30+$0xFFFFFF00] =	vst v14  }
0x77: {  	[tilespmem:s30+$0xFFFFFF50] =	vst v9;
	v14 =	vld.idx.msk [tilespmem:v2+s4+$0xFFFFD000 ss:$0x1], $0xffff  }
0x78: {  	v9 =	vld.idx.msk [tilespmem:v6+s4+$0xFFFFD000 ss:$0x1], $0xffff;
	[tilespmem:s30+$0xFFFFFF60] =	vst v10  }
0x79: {  	v10 =	vld.idx.msk [tilespmem:v7+s4+$0xFFFFD000 ss:$0x1], $0xffff;
	[tilespmem:s30+$0xFFFFFFF0] =	vst v13  }
0x7a: {  	[tilespmem:s30+$0xFFFFFF90] =	vst v15;
	v13 =	vld.idx.msk [tilespmem:v1+s4+$0xFFFFC000 ss:$0x1], $0xffff  }
0x7b: {  	v15 =	vld.idx.msk [tilespmem:v3+s4+$0xFFFFC000 ss:$0x1], $0xffff;
	[tilespmem:s30+$0xFFFFFFA0] =	vst v11  }
0x7c: {  	v11 =	vld.idx.msk [tilespmem:v8+s4+$0xFFFFD000 ss:$0x1], $0xffff;
	[tilespmem:s30+$0xFFFFFFB0] =	vst v12  }
0x7d: {  	v12 =	vld.idx.msk [tilespmem:v4+s4+$0xFFFFC000 ss:$0x1], $0xffff;
	[tilespmem:s30+$0xFFFFFF80] =	vst v14  }
0x7e: {  	[tilespmem:s30+$0xFFFFFFC0] =	vst v9;
	v9 =	vld.idx.msk [tilespmem:v5+s4+$0xFFFFC000 ss:$0x1], $0xffff  }
0x7f: {  	[tilespmem:s30+$0xFFFFFFD0] =	vst v10;
	v14 =	vld.idx.msk [tilespmem:v2+s4+$0xFFFFC000 ss:$0x1], $0xffff  }
0x80: {  	v10 =	vld.idx.msk [tilespmem:v6+s4+$0xFFFFC000 ss:$0x1], $0xffff;
	[tilespmem:s30+$0x70] =	vst v13  }
0x81: {  	[tilespmem:s30+$0x10] =	vst v15;
	v13 =	vld.idx.msk [tilespmem:v1+s4+$0xFFFFB000 ss:$0x1], $0xffff  }
0x82: {  	[tilespmem:s30+$0xFFFFFFE0] =	vst v11;
	v11 =	vld.idx.msk [tilespmem:v7+s4+$0xFFFFC000 ss:$0x1], $0xffff  }
0x83: {  	v15 =	vld.idx.msk [tilespmem:v3+s4+$0xFFFFB000 ss:$0x1], $0xffff;
	[tilespmem:s30+$0x20] =	vst v12  }
0x84: {  	v12 =	vld.idx.msk [tilespmem:v8+s4+$0xFFFFC000 ss:$0x1], $0xffff;
	[tilespmem:s30+$0x30] =	vst v9  }
0x85: {  	v9 =	vld.idx.msk [tilespmem:v4+s4+$0xFFFFB000 ss:$0x1], $0xffff;
	[tilespmem:s30+$0x0] =	vst v14  }
0x86: {  	[tilespmem:s30+$0x40] =	vst v10;
	v10 =	vld.idx.msk [tilespmem:v5+s4+$0xFFFFB000 ss:$0x1], $0xffff  }
0x87: {  	v14 =	vld.idx.msk [tilespmem:v2+s4+$0xFFFFB000 ss:$0x1], $0xffff;
	[tilespmem:s30+$0xF0] =	vst v13  }
0x88: {  	[tilespmem:s30+$0x50] =	vst v11;
	v11 =	vld.idx.msk [tilespmem:v6+s4+$0xFFFFB000 ss:$0x1], $0xffff  }
0x89: {  	[tilespmem:s30+$0x90] =	vst v15;
	v13 =	vld.idx.msk [tilespmem:v1+s4+$0xFFFFA000 ss:$0x1], $0xffff  }
0x8a: {  	[tilespmem:s30+$0x60] =	vst v12;
	v12 =	vld.idx.msk [tilespmem:v7+s4+$0xFFFFB000 ss:$0x1], $0xffff  }
0x8b: {  	v15 =	vld.idx.msk [tilespmem:v8+s4+$0xFFFFB000 ss:$0x1], $0xffff;
	[tilespmem:s30+$0xA0] =	vst v9  }
0x8c: {  	v9 =	vld.idx.msk [tilespmem:v3+s4+$0xFFFFA000 ss:$0x1], $0xffff;
	[tilespmem:s30+$0xB0] =	vst v10  }
0x8d: {  	v10 =	vld.idx.msk [tilespmem:v4+s4+$0xFFFFA000 ss:$0x1], $0xffff;
	[tilespmem:s30+$0x80] =	vst v14  }
0x8e: {  	v14 =	vld.idx.msk [tilespmem:v2+s4+$0xFFFFA000 ss:$0x1], $0xffff;
	[tilespmem:s30+$0xC0] =	vst v11  }
0x8f: {  	v11 =	vld.idx.msk [tilespmem:v5+s4+$0xFFFFA000 ss:$0x1], $0xffff;
	[tilespmem:s30+$0x170] =	vst v13  }
0x90: {  	[tilespmem:s30+$0xD0] =	vst v12;
	v12 =	vld.idx.msk [tilespmem:v6+s4+$0xFFFFA000 ss:$0x1], $0xffff  }
0x91: {  	v13 =	vld.idx.msk [tilespmem:v1+s4+$0xFFFF9000 ss:$0x1], $0xffff;
	[tilespmem:s30+$0xE0] =	vst v15  }
0x92: {  	v15 =	vld.idx.msk [tilespmem:v7+s4+$0xFFFFA000 ss:$0x1], $0xffff;
	[tilespmem:s30+$0x110] =	vst v9  }
0x93: {  	v9 =	vld.idx.msk [tilespmem:v3+s4+$0xFFFF9000 ss:$0x1], $0xffff;
	[tilespmem:s30+$0x120] =	vst v10  }
0x94: {  	[tilespmem:s30+$0x100] =	vst v14;
	v14 =	vld.idx.msk [tilespmem:v8+s4+$0xFFFFA000 ss:$0x1], $0xffff  }
0x95: {  	[tilespmem:s30+$0x130] =	vst v11;
	v16 =	vld.idx.msk [tilespmem:v2+s4+$0xFFFF9000 ss:$0x1], $0xffff  }
0x96: {  	v10 =	vld.idx.msk [tilespmem:v4+s4+$0xFFFF9000 ss:$0x1], $0xffff;
	[tilespmem:s30+$0x140] =	vst v12  }
0x97: {  	v11 =	vld.idx.msk [tilespmem:v5+s4+$0xFFFF9000 ss:$0x1], $0xffff;
	[tilespmem:s30+$0x1F0] =	vst v13  }
0x98: {  	s5 =	sshll.u32 s29, $0xE;
	s3 =	sshll.u32 s29, $0x3;
	v12 =	vld.idx.msk [tilespmem:v6+s4+$0xFFFF9000 ss:$0x1], $0xffff;
	[tilespmem:s30+$0x150] =	vst v15  }
0x99: {  	s6 =	sand.u32 $0x4000, s5;
	s31 =	sadd.s32 s19, s3;
	v13 =	vld.idx.msk [tilespmem:v7+s4+$0xFFFF9000 ss:$0x1], $0xffff;
	[tilespmem:s30+$0x160] =	vst v14  }
0x9a: {  	s0 =	sor.u32 $0x10000, s6;
	s3 =	simm.s32 $0x0;
	[tilespmem:s30+$0x180] =	vst v16;
	v14 =	vld.idx.msk [tilespmem:v8+s4+$0xFFFF9000 ss:$0x1], $0xffff;
	s4 =	simm.s32 $0x80  }
.LBB2_3:
0x9b: {  	v15 =	vld.idx.msk [tilespmem:v0+s4+$0x7070 ss:$0x1], $0xffff;
	s3 =	sadd.s32 $0x8, s3;
	[tilespmem:s30+$0x190] =	vst v9  }
0x9c: {  	v9 =	vld.idx.msk [tilespmem:v0+s4+$0x7010 ss:$0x1], $0xffff;
	p1 =	slt.u32 s3, $0x78;
	[tilespmem:s30+$0x1A0] =	vst v10  }
0x9d: {  	v10 =	vld.idx.msk [tilespmem:v0+s4+$0x7020 ss:$0x1], $0xffff;
	[tilespmem:s30+$0x1B0] =	vst v11  }
0x9e: {  	v11 =	vld.idx.msk [tilespmem:v0+s4+$0x7030 ss:$0x1], $0xffff;
	[tilespmem:s30+$0x1C0] =	vst v12  }
0x9f: {  	v12 =	vld.idx.msk [tilespmem:v0+s4+$0x7040 ss:$0x1], $0xffff;
	[tilespmem:s30+$0x1D0] =	vst v13  }
0xa0: {  	v13 =	vld.idx.msk [tilespmem:v0+s4+$0x7050 ss:$0x1], $0xffff;
	[tilespmem:s30+$0x1E0] =	vst v14;
	s30 =	sadd.s32 $0x400, s30  }
0xa1: {  	v14 =	vld.idx.msk [tilespmem:v0+s4+$0x7060 ss:$0x1], $0xffff;
	[tilespmem:s30+$0xFFFFFE70] =	vst v15  }
0xa2: {  	[tilespmem:s30+$0xFFFFFE10] =	vst v9;
	v9 =	vld.idx.msk [tilespmem:v1+s4+$0xFFFFF000 ss:$0x1], $0xffff  }
0xa3: {  	v15 =	vld.idx.msk [tilespmem:v2+s4+$0x0 ss:$0x1], $0xffff;
	[tilespmem:s30+$0xFFFFFE20] =	vst v10  }
0xa4: {  	v10 =	vld.idx.msk [tilespmem:v3+s4+$0xFFFFF000 ss:$0x1], $0xffff;
	[tilespmem:s30+$0xFFFFFE30] =	vst v11  }
0xa5: {  	v11 =	vld.idx.msk [tilespmem:v4+s4+$0xFFFFF000 ss:$0x1], $0xffff;
	[tilespmem:s30+$0xFFFFFE40] =	vst v12  }
0xa6: {  	v12 =	vld.idx.msk [tilespmem:v5+s4+$0xFFFFF000 ss:$0x1], $0xffff;
	[tilespmem:s30+$0xFFFFFE50] =	vst v13  }
0xa7: {  	v13 =	vld.idx.msk [tilespmem:v6+s4+$0xFFFFF000 ss:$0x1], $0xffff;
	[tilespmem:s30+$0xFFFFFE60] =	vst v14  }
0xa8: {  	v14 =	vld.idx.msk [tilespmem:v7+s4+$0xFFFFF000 ss:$0x1], $0xffff;
	[tilespmem:s30+$0xFFFFFEF0] =	vst v9  }
0xa9: {  	[tilespmem:s30+$0xFFFFFE00] =	vst v15;
	v9 =	vld.idx.msk [tilespmem:v1+s4+$0xFFFFE000 ss:$0x1], $0xffff  }
0xaa: {  	v15 =	vld.idx.msk [tilespmem:v2+s4+$0xFFFFF000 ss:$0x1], $0xffff;
	[tilespmem:s30+$0xFFFFFE90] =	vst v10  }
0xab: {  	[tilespmem:s30+$0xFFFFFEA0] =	vst v11;
	v10 =	vld.idx.msk [tilespmem:v8+s4+$0xFFFFF000 ss:$0x1], $0xffff  }
0xac: {  	v11 =	vld.idx.msk [tilespmem:v3+s4+$0xFFFFE000 ss:$0x1], $0xffff;
	[tilespmem:s30+$0xFFFFFEB0] =	vst v12  }
0xad: {  	v12 =	vld.idx.msk [tilespmem:v4+s4+$0xFFFFE000 ss:$0x1], $0xffff;
	[tilespmem:s30+$0xFFFFFEC0] =	vst v13  }
0xae: {  	v13 =	vld.idx.msk [tilespmem:v5+s4+$0xFFFFE000 ss:$0x1], $0xffff;
	[tilespmem:s30+$0xFFFFFED0] =	vst v14  }
0xaf: {  	v14 =	vld.idx.msk [tilespmem:v6+s4+$0xFFFFE000 ss:$0x1], $0xffff;
	[tilespmem:s30+$0xFFFFFF70] =	vst v9  }
0xb0: {  	[tilespmem:s30+$0xFFFFFE80] =	vst v15;
	v9 =	vld.idx.msk [tilespmem:v1+s4+$0xFFFFD000 ss:$0x1], $0xffff  }
0xb1: {  	v15 =	vld.idx.msk [tilespmem:v2+s4+$0xFFFFE000 ss:$0x1], $0xffff;
	[tilespmem:s30+$0xFFFFFEE0] =	vst v10  }
0xb2: {  	[tilespmem:s30+$0xFFFFFF10] =	vst v11;
	v10 =	vld.idx.msk [tilespmem:v7+s4+$0xFFFFE000 ss:$0x1], $0xffff  }
0xb3: {  	[tilespmem:s30+$0xFFFFFF20] =	vst v12;
	v11 =	vld.idx.msk [tilespmem:v8+s4+$0xFFFFE000 ss:$0x1], $0xffff  }
0xb4: {  	v12 =	vld.idx.msk [tilespmem:v3+s4+$0xFFFFD000 ss:$0x1], $0xffff;
	[tilespmem:s30+$0xFFFFFF30] =	vst v13  }
0xb5: {  	v13 =	vld.idx.msk [tilespmem:v4+s4+$0xFFFFD000 ss:$0x1], $0xffff;
	[tilespmem:s30+$0xFFFFFF40] =	vst v14  }
0xb6: {  	v14 =	vld.idx.msk [tilespmem:v5+s4+$0xFFFFD000 ss:$0x1], $0xffff;
	[tilespmem:s30+$0xFFFFFFF0] =	vst v9  }
0xb7: {  	[tilespmem:s30+$0xFFFFFF00] =	vst v15;
	v9 =	vld.idx.msk [tilespmem:v1+s4+$0xFFFFC000 ss:$0x1], $0xffff  }
0xb8: {  	v15 =	vld.idx.msk [tilespmem:v2+s4+$0xFFFFD000 ss:$0x1], $0xffff;
	[tilespmem:s30+$0xFFFFFF50] =	vst v10  }
0xb9: {  	v10 =	vld.idx.msk [tilespmem:v6+s4+$0xFFFFD000 ss:$0x1], $0xffff;
	[tilespmem:s30+$0xFFFFFF60] =	vst v11  }
0xba: {  	[tilespmem:s30+$0xFFFFFF90] =	vst v12;
	v11 =	vld.idx.msk [tilespmem:v7+s4+$0xFFFFD000 ss:$0x1], $0xffff  }
0xbb: {  	[tilespmem:s30+$0xFFFFFFA0] =	vst v13;
	v12 =	vld.idx.msk [tilespmem:v8+s4+$0xFFFFD000 ss:$0x1], $0xffff  }
0xbc: {  	v13 =	vld.idx.msk [tilespmem:v3+s4+$0xFFFFC000 ss:$0x1], $0xffff;
	[tilespmem:s30+$0xFFFFFFB0] =	vst v14  }
0xbd: {  	v14 =	vld.idx.msk [tilespmem:v4+s4+$0xFFFFC000 ss:$0x1], $0xffff;
	[tilespmem:s30+$0x70] =	vst v9  }
0xbe: {  	[tilespmem:s30+$0xFFFFFF80] =	vst v15;
	v9 =	vld.idx.msk [tilespmem:v1+s4+$0xFFFFB000 ss:$0x1], $0xffff  }
0xbf: {  	v15 =	vld.idx.msk [tilespmem:v2+s4+$0xFFFFC000 ss:$0x1], $0xffff;
	[tilespmem:s30+$0xFFFFFFC0] =	vst v10  }
0xc0: {  	v10 =	vld.idx.msk [tilespmem:v5+s4+$0xFFFFC000 ss:$0x1], $0xffff;
	[tilespmem:s30+$0xFFFFFFD0] =	vst v11  }
0xc1: {  	v11 =	vld.idx.msk [tilespmem:v6+s4+$0xFFFFC000 ss:$0x1], $0xffff;
	[tilespmem:s30+$0xFFFFFFE0] =	vst v12  }
0xc2: {  	[tilespmem:s30+$0x10] =	vst v13;
	v12 =	vld.idx.msk [tilespmem:v7+s4+$0xFFFFC000 ss:$0x1], $0xffff  }
0xc3: {  	[tilespmem:s30+$0x20] =	vst v14;
	v13 =	vld.idx.msk [tilespmem:v8+s4+$0xFFFFC000 ss:$0x1], $0xffff  }
0xc4: {  	v14 =	vld.idx.msk [tilespmem:v3+s4+$0xFFFFB000 ss:$0x1], $0xffff;
	[tilespmem:s30+$0xF0] =	vst v9  }
0xc5: {  	[tilespmem:s30+$0x0] =	vst v15;
	v9 =	vld.idx.msk [tilespmem:v1+s4+$0xFFFFA000 ss:$0x1], $0xffff  }
0xc6: {  	v15 =	vld.idx.msk [tilespmem:v2+s4+$0xFFFFB000 ss:$0x1], $0xffff;
	[tilespmem:s30+$0x30] =	vst v10  }
0xc7: {  	v10 =	vld.idx.msk [tilespmem:v4+s4+$0xFFFFB000 ss:$0x1], $0xffff;
	[tilespmem:s30+$0x40] =	vst v11  }
0xc8: {  	v11 =	vld.idx.msk [tilespmem:v5+s4+$0xFFFFB000 ss:$0x1], $0xffff;
	[tilespmem:s30+$0x50] =	vst v12  }
0xc9: {  	v12 =	vld.idx.msk [tilespmem:v6+s4+$0xFFFFB000 ss:$0x1], $0xffff;
	[tilespmem:s30+$0x60] =	vst v13  }
0xca: {  	[tilespmem:s30+$0x90] =	vst v14;
	v13 =	vld.idx.msk [tilespmem:v7+s4+$0xFFFFB000 ss:$0x1], $0xffff  }
0xcb: {  	v14 =	vld.idx.msk [tilespmem:v8+s4+$0xFFFFB000 ss:$0x1], $0xffff;
	[tilespmem:s30+$0x170] =	vst v9  }
0xcc: {  	[tilespmem:s30+$0x80] =	vst v15;
	v9 =	vld.idx.msk [tilespmem:v1+s4+$0xFFFF9000 ss:$0x1], $0xffff  }
0xcd: {  	v15 =	vld.idx.msk [tilespmem:v2+s4+$0xFFFFA000 ss:$0x1], $0xffff;
	[tilespmem:s30+$0xA0] =	vst v10  }
0xce: {  	v10 =	vld.idx.msk [tilespmem:v3+s4+$0xFFFFA000 ss:$0x1], $0xffff;
	[tilespmem:s30+$0xB0] =	vst v11  }
0xcf: {  	v11 =	vld.idx.msk [tilespmem:v4+s4+$0xFFFFA000 ss:$0x1], $0xffff;
	[tilespmem:s30+$0xC0] =	vst v12  }
0xd0: {  	v12 =	vld.idx.msk [tilespmem:v5+s4+$0xFFFFA000 ss:$0x1], $0xffff;
	[tilespmem:s30+$0xD0] =	vst v13  }
0xd1: {  	v13 =	vld.idx.msk [tilespmem:v6+s4+$0xFFFFA000 ss:$0x1], $0xffff;
	[tilespmem:s30+$0xE0] =	vst v14  }
0xd2: {  	v14 =	vld.idx.msk [tilespmem:v7+s4+$0xFFFFA000 ss:$0x1], $0xffff;
	[tilespmem:s30+$0x1F0] =	vst v9  }
0xd3: {  	[tilespmem:s30+$0x100] =	vst v15;
	v15 =	vld.idx.msk [tilespmem:v8+s4+$0xFFFFA000 ss:$0x1], $0xffff  }
0xd4: {  	v16 =	vld.idx.msk [tilespmem:v2+s4+$0xFFFF9000 ss:$0x1], $0xffff;
	[tilespmem:s30+$0x110] =	vst v10  }
0xd5: {  	v9 =	vld.idx.msk [tilespmem:v3+s4+$0xFFFF9000 ss:$0x1], $0xffff;
	[tilespmem:s30+$0x120] =	vst v11  }
.Ltmp0:
0xd6: {  	v10 =	vld.idx.msk [tilespmem:v4+s4+$0xFFFF9000 ss:$0x1], $0xffff;
	[tilespmem:s30+$0x130] =	vst v12;
	(pc) =	sbr.rel @p1 .LBB2_3-.Ltmp0, $4  }
0xd7: {  	v11 =	vld.idx.msk [tilespmem:v5+s4+$0xFFFF9000 ss:$0x1], $0xffff;
	[tilespmem:s30+$0x140] =	vst v13  }
0xd8: {  	v12 =	vld.idx.msk [tilespmem:v6+s4+$0xFFFF9000 ss:$0x1], $0xffff;
	[tilespmem:s30+$0x150] =	vst v14  }
0xd9: {  	v13 =	vld.idx.msk [tilespmem:v7+s4+$0xFFFF9000 ss:$0x1], $0xffff;
	[tilespmem:s30+$0x160] =	vst v15  }
0xda: {  	[tilespmem:s30+$0x180] =	vst v16;
	v14 =	vld.idx.msk [tilespmem:v8+s4+$0xFFFF9000 ss:$0x1], $0xffff;
	s4 =	sadd.s32 $0x80, s4  }
0xdb: {  	[tilespmem:s30+$0x190] =	vst v9;
	s29 =	sadd.s32 $0x1, s29  }
0xdc: {  	[tilespmem:s30+$0x1A0] =	vst v10;
	p1 =	sne.s32 s29, $0x80  }
.Ltmp1:
0xdd: {  	[tilespmem:s30+$0x1B0] =	vst v11;
	(pc) =	sbr.rel @p1 .LBB2_2-.Ltmp1, $4  }
0xde: {  	[tilespmem:s30+$0x1C0] =	vst v12  }
0xdf: {  	s3 =	sshll.u32 s31, $0x8;
	s22 =	sadd.s32 $0xFFFF8000, s22;
	[tilespmem:s30+$0x1D0] =	vst v13  }
0xe0: {  	s23 =	sadd.s32 $0xFFFFFFF8, s23;
	p0 =	por !p0, !p0;
	s3 =	sadd.s32 s3, s20;
	[tilespmem:s30+$0x1E0] =	vst v14  }
0xe1: {  	[hbm4b:s3+s2] =	stream.linear.scatter [tilespmem:s0], [sflag:$0x1], $0x4000, $0x38;
	[tilespmem:$0x18000] =	vst v63  }
0xe2: {  	s25 =	sadd.s32 $0x1, s25  }
0xe3: {  	_ =	swait.ge [sflag:s1], $0x4000;
	p0 =	sne.s32 s25, s21  }
.Ltmp2:
0xe4: {  	[sflag:s1] =	ssyncset.done $0x0;
	(pc) =	sbr.rel @p0 .LBB2_1-.Ltmp2, $4  }
0xe5: {  	[sflag:s1] =	ssyncadd.s32 $0xFFFFC000  }
0xe6: {  	_ =	swait.ge [sflag:s1], $0x4000  }
0xe7: {  	[sflag:s1] =	ssyncset.done $0x0  }
0xe8: {  	[sflag:s1] =	ssyncadd.s32 $0xFFFFC000  }
0xe9: {  	_ =	sfence.sel $0x180000  }
0xea: {  	[bflag:$0x0] =	sbarrier.arrive $0xFFFF  }
0xeb: {  	_ =	strace $0x90000047  }
0xec: {  	s0 =	stileid.u32;
	[bflag:$0x2] =	sbarrier.arrive $0xFFFF  }
0xed: {  	p0 =	sne.s32 s0, $0x0;
	s0 =	rddreg [dreg:$0x2]  }
0xee: {  	s0 =	sadd.s32 @!p0 $0x100000, s0  }
0xef: {  	[sflag:s0] =	ssyncadd.tile.s32 @!p0 $0x1;
	_ =	shalt  }
.Lfunc_end2:
_tile_overlayer_lowered:
.L_overlay_start_2:
0xf0: {  	(tag) =	ssettag $0x2  }
0xf1: {  	s0 =	rddreg [dreg:$0x0];
	s2 =	stileid.u32  }
0xf2: {  	s1 =	rddreg [dreg:$0x1];
	p0 =	sne.s32 s2, $0x0  }
0xf3: {  	s3 =	rddreg [dreg:$0x2];
	[bflag:$0x3] =	sbarrier.arrive $0xFFFF;
	s2 =	simm.s32 @!p0 $0x1C02  }
0xf4: {  	[timem:s3], [sflag:s2] =	dma.local @!p0 [hbm:s0], s1  }
0xf5: {  	s0 =	simm.s32 @!p0 $0x2  }
0xf6: {  	_ =	swait.ge @!p0 [sflag:s0], s1  }
0xf7: {  	s1 =	ssub.s32 @!p0 $0x0, s1;
	[sflag:s0] =	ssyncset.done @!p0 $0x0  }
0xf8: {  	[sflag:s0] =	ssyncadd.s32 @!p0 s1  }
0xf9: {  	[bflag:$0x3] =	sbarrier.arrive $0xFFFF  }
0xfa: {  	_ =	shalt  }

</sc_bundles>
